<compile_context>
chip_gen: v7x
topology: tpu7x:2x2x1
jax: 0.10.2.dev20260603
libtpu: 0.0.44.dev20260713+nightly
codegen_flags: <defaults>
</compile_context>

<pallas_src>
import functools

import jax
import jax.numpy as jnp
from jax import lax
from jax.experimental import pallas as pl
from jax.experimental.pallas import tpu as pltpu
from jax.experimental.pallas import tpu_sc as plsc

EMBED_DIM = 128
EPS = 1e-06

TURN_OFF = 832
CASTLE_OFF = TURN_OFF + 2
EP_OFF = CASTLE_OFF + 16
ZERO_ROW = EP_OFF + 65
TABLE_ROWS = 928


def _table_body(piece_ref, square_ref, turn_ref, castle_ref, ep_ref, w_ref, out_ref):
    piece = piece_ref[...]
    square = square_ref[...]
    comb = (square[:, None, :] + piece[None, :, :]).reshape(832, EMBED_DIM)
    zeros = jnp.zeros((TABLE_ROWS - ZERO_ROW, EMBED_DIM), jnp.float32)
    rows = jnp.concatenate(
        [comb, turn_ref[...], castle_ref[...], ep_ref[...], zeros], axis=0)
    ms = jnp.mean(rows * rows, axis=1, keepdims=True)
    out_ref[...] = rows * lax.rsqrt(ms + EPS) * w_ref[...]


def _prep_table(piece, square, turn, castle, ep, w, copies):
    full = lambda i: (0, 0)
    return pl.pallas_call(
        _table_body,
        grid=(copies,),
        in_specs=[pl.BlockSpec((13, EMBED_DIM), full),
                  pl.BlockSpec((64, EMBED_DIM), full),
                  pl.BlockSpec((2, EMBED_DIM), full),
                  pl.BlockSpec((16, EMBED_DIM), full),
                  pl.BlockSpec((65, EMBED_DIM), full),
                  pl.BlockSpec((1, EMBED_DIM), full)],
        out_specs=pl.BlockSpec((TABLE_ROWS, EMBED_DIM), lambda i: (i, 0)),
        out_shape=jax.ShapeDtypeStruct((copies * TABLE_ROWS, EMBED_DIM),
                                       jnp.float32),
    )(piece, square, turn, castle, ep, w.reshape(1, EMBED_DIM))


def _idx_body(bw, board_ref, meta_ref, out_ref):
    board = board_ref[...]
    blk = board.shape[0]
    offs = lax.broadcasted_iota(jnp.int32, (1, 64), 1) * 13
    m = meta_ref[...]
    cls = jnp.full((blk, 1), ZERO_ROW, jnp.int32)
    pid = pl.program_id(0)
    ro = (lax.broadcasted_iota(jnp.int32, (blk, 1), 0) // bw
          + pid * (blk // bw)) * TABLE_ROWS
    out_ref[...] = jnp.concatenate(
        [cls, board + offs,
         m[:, 0:1] + TURN_OFF, m[:, 1:2] + CASTLE_OFF, m[:, 2:3] + EP_OFF],
        axis=1) + ro


def _prep_idx(board, meta, bw):
    b = board.shape[0]
    blk = 2048
    assert b % blk == 0 and blk % bw == 0
    return pl.pallas_call(
        functools.partial(_idx_body, bw),
        grid=(b // blk,),
        in_specs=[pl.BlockSpec((blk, 64), lambda i: (i, 0)),
                  pl.BlockSpec((blk, 3), lambda i: (i, 0))],
        out_specs=pl.BlockSpec((blk, 68), lambda i: (i, 0)),
        out_shape=jax.ShapeDtypeStruct((b, 68), jnp.int32),
    )(board, meta)


def _sc_gather(table, idx2d, total_rows):
    info = plsc.get_sparse_core_info()
    nc, ns = info.num_cores, info.num_subcores
    nw = nc * ns
    k = 128
    chunks_total = idx2d.shape[0]
    assert chunks_total % nw == 0
    chunks = chunks_total // nw
    per_w = chunks * k

    nbuf = 4
    assert chunks % nbuf == 0
    mesh = plsc.VectorSubcoreMesh(core_axis_name="c", subcore_axis_name="s")

    @functools.partial(
        pl.kernel,
        out_type=jax.ShapeDtypeStruct((total_rows, EMBED_DIM), jnp.float32),
        mesh=mesh,
        scratch_types=[
            pltpu.VMEM((chunks, k), jnp.int32),
            [pltpu.VMEM((k, EMBED_DIM), jnp.float32)] * nbuf,
            [pltpu.SemaphoreType.DMA] * nbuf,
            [pltpu.SemaphoreType.DMA] * nbuf,
        ],
    )
    def gather_kernel(table_hbm, idx_hbm, out_hbm, idx_v, rows, gsem, ssem):
        wid = lax.axis_index("s") * nc + lax.axis_index("c")
        pltpu.sync_copy(idx_hbm.at[pl.ds(wid * chunks, chunks)], idx_v)
        base = wid * per_w

        def gather(j, b):
            pltpu.async_copy(table_hbm.at[idx_v.at[j]], rows[b], gsem[b])

        def store(j, b):
            pltpu.async_copy(rows[b], out_hbm.at[pl.ds(base + j * k, k)],
                             ssem[b])

        def gather_wait(b):
            pltpu.make_async_copy(table_hbm.at[idx_v.at[0]], rows[b],
                                  gsem[b]).wait()

        def store_wait(b):
            pltpu.make_async_copy(rows[b], out_hbm.at[pl.ds(base, k)],
                                  ssem[b]).wait()

        for b in range(nbuf):
            gather(b, b)

        def body(i, carry):
            j0 = i * nbuf
            for b in range(nbuf):
                gather_wait(b)
                store(j0 + b, b)
            for b in range(nbuf):
                store_wait(b)
                gather(j0 + nbuf + b, b)
            return carry

        lax.fori_loop(0, chunks // nbuf - 1, body, 0)

        j0 = chunks - nbuf
        for b in range(nbuf):
            gather_wait(b)
            store(j0 + b, b)
        for b in range(nbuf):
            store_wait(b)

    return gather_kernel(table, idx2d)


def kernel(board_tensor, metadata, piece_table, square_table, turn_table,
           castling_table, en_passant_table, rms_weight):
    b = board_tensor.shape[0]
    board = board_tensor.astype(jnp.int32)
    meta = metadata.astype(jnp.int32)

    info = plsc.get_sparse_core_info()
    nw = info.num_cores * info.num_subcores
    table = _prep_table(piece_table, square_table, turn_table,
                        castling_table, en_passant_table, rms_weight, nw)
    idx = _prep_idx(board, meta, b // nw)
    total_rows = b * 68
    idx2d = idx.reshape(total_rows // 128, 128)
    out = _sc_gather(table, idx2d, total_rows)
    return out.reshape(b, 68, EMBED_DIM)

# --- scband reference (transcript-rebuilt; emitter-appended) ---
"""Pipeline reference for scband-chess-board-encoder-66958540144927 (READ-ONLY COPY).

The authoritative reference and input builder live on the scoring server;
editing this copy changes nothing except your own understanding.
"""

import jax, jax.numpy as jnp
import numpy as np

EMBED_DIM = 128
B = 16384
EPS = 1e-06


def setup_inputs(seed: int = 0) -> dict:
    key = jax.random.key(seed)
    ks = jax.random.split(key, 8)
    board_tensor = jax.random.randint(ks[0], (B, 64), 0, 13, dtype=jnp.int64) if jax.config.jax_enable_x64 else jax.random.randint(ks[0], (B, 64), 0, 13, dtype=jnp.int32)
    metadata = jax.random.randint(ks[1], (B, 3), 0, 2, dtype=jnp.int32)
    piece_table = jax.random.normal(ks[2], (13, EMBED_DIM), dtype=jnp.float32) * 0.02
    square_table = jax.random.normal(ks[3], (64, EMBED_DIM), dtype=jnp.float32) * 0.02
    turn_table = jax.random.normal(ks[4], (2, EMBED_DIM), dtype=jnp.float32) * 0.02
    castling_table = jax.random.normal(ks[5], (16, EMBED_DIM), dtype=jnp.float32) * 0.02
    en_passant_table = jax.random.normal(ks[6], (65, EMBED_DIM), dtype=jnp.float32) * 0.02
    rms_weight = jnp.ones((EMBED_DIM,), dtype=jnp.float32)
    return {
        "board_tensor": board_tensor,
        "metadata": metadata,
        "piece_table": piece_table,
        "square_table": square_table,
        "turn_table": turn_table,
        "castling_table": castling_table,
        "en_passant_table": en_passant_table,
        "rms_weight": rms_weight,
    }


def _rmsnorm(x, weight, eps=EPS):
    norm = jax.lax.rsqrt(jnp.mean(x * x, axis=-1, keepdims=True) + eps)
    return x * norm * weight


def reference(board_tensor, metadata, piece_table, square_table, turn_table, castling_table, en_passant_table, rms_weight):
    b = board_tensor.shape[0]
    piece_emb = jnp.take(piece_table, board_tensor, axis=0)  # [B, 64, D]
    square_ids = jnp.arange(64, dtype=board_tensor.dtype)
    square_emb = jnp.take(square_table, square_ids, axis=0)[None, :, :]  # [1, 64, D]
    board_emb = piece_emb + square_emb  # broadcast over batch
    turn_emb = jnp.take(turn_table, metadata[:, 0], axis=0)[:, None, :]
    castling_emb = jnp.take(castling_table, metadata[:, 1], axis=0)[:, None, :]
    en_passant_emb = jnp.take(en_passant_table, metadata[:, 2], axis=0)[:, None, :]
    cls_token = jnp.zeros((b, 1, piece_emb.shape[-1]), dtype=piece_emb.dtype)
    tokens = jnp.concatenate([cls_token, board_emb, turn_emb, castling_emb, en_passant_emb], axis=1)
    return _rmsnorm(tokens, rms_weight)

if __name__ == "__main__":
    import jax
    _d = setup_inputs()
    print(jax.jit(kernel)(*tuple(_d.values())))

</pallas_src>

<mosaic_0001>
#map = affine_map<(d0, d1) -> (0, 0)>
module attributes {stable_mosaic.version = 14 : i64} {
  func.func @gather_kernel(%arg0: i32, %arg1: i32, %arg2: memref<29696x128xf32, #tpu.memory_space<hbm>>, %arg3: memref<8704x128xi32, #tpu.memory_space<hbm>>, %arg4: memref<1114112x128xf32, #tpu.memory_space<hbm>>, %arg5: memref<272x128xi32, #tpu.memory_space<vmem>>, %arg6: memref<128x128xf32, #tpu.memory_space<vmem>>, %arg7: memref<128x128xf32, #tpu.memory_space<vmem>>, %arg8: memref<128x128xf32, #tpu.memory_space<vmem>>, %arg9: memref<128x128xf32, #tpu.memory_space<vmem>>, %arg10: memref<!tpu.dma_semaphore, #tpu.memory_space<semaphore_mem>>, %arg11: memref<!tpu.dma_semaphore, #tpu.memory_space<semaphore_mem>>, %arg12: memref<!tpu.dma_semaphore, #tpu.memory_space<semaphore_mem>>, %arg13: memref<!tpu.dma_semaphore, #tpu.memory_space<semaphore_mem>>, %arg14: memref<!tpu.dma_semaphore, #tpu.memory_space<semaphore_mem>>, %arg15: memref<!tpu.dma_semaphore, #tpu.memory_space<semaphore_mem>>, %arg16: memref<!tpu.dma_semaphore, #tpu.memory_space<semaphore_mem>>, %arg17: memref<!tpu.dma_semaphore, #tpu.memory_space<semaphore_mem>>) attributes {dimension_semantics = [#tpu.dimension_semantics<core_parallel>, #tpu.dimension_semantics<subcore_parallel>], iteration_bounds = array<i64: 2, 16>, scalar_prefetch = 0 : i64, scratch_operands = 13 : i64, tpu.core_type = #tpu.core_type<sc_vector_subcore>, window_params = [{transform_indices = #map}, {transform_indices = #map}, {transform_indices = #map}]} {
    %mul3A = arith.constant 2 : i32
    %mul3A_0 = arith.muli %arg1, %mul3A : i32
    %add3A = arith.addi %mul3A_0, %arg0 : i32
    %mul3A_1 = arith.constant 272 : i32
    %mul3A_2 = arith.muli %add3A, %mul3A_1 : i32
    "tpu.region"() ({
      %run_scoped3A = tpu.sem_alloc : memref<!tpu.dma_semaphore, #tpu.memory_space<semaphore_mem>>
      %dma_start3A_104 = arith.constant 0 : i32
      %dma_start3A_105 = tpu.memref_slice %arg3[%mul3A_2, %dma_start3A_104] : memref<8704x128xi32, #tpu.memory_space<hbm>> -> memref<272x128xi32, #tpu.memory_space<hbm>>
      %dma_start3A_106 = arith.constant 0 : i32
      %dma_start3A_107 = tpu.memref_slice %arg3[%mul3A_2, %dma_start3A_106] : memref<8704x128xi32, #tpu.memory_space<hbm>> -> memref<272x128xi32, #tpu.memory_space<hbm>>
      tpu.enqueue_dma source(%dma_start3A_107 : memref<272x128xi32, #tpu.memory_space<hbm>>) target(%arg5 : memref<272x128xi32, #tpu.memory_space<vmem>>) target_semaphore(%run_scoped3A : memref<!tpu.dma_semaphore, #tpu.memory_space<semaphore_mem>>)
      %dma_wait3A_108 = arith.constant 0 : i32
      %dma_wait3A_109 = tpu.memref_slice %arg3[%mul3A_2, %dma_wait3A_108] : memref<8704x128xi32, #tpu.memory_space<hbm>> -> memref<272x128xi32, #tpu.memory_space<hbm>>
      %dma_wait3A_110 = arith.constant 0 : i32
      %dma_wait3A_111 = tpu.memref_slice %arg3[%mul3A_2, %dma_wait3A_110] : memref<8704x128xi32, #tpu.memory_space<hbm>> -> memref<272x128xi32, #tpu.memory_space<hbm>>
      tpu.wait_dma2 semaphore(%run_scoped3A : memref<!tpu.dma_semaphore, #tpu.memory_space<semaphore_mem>>) src(%dma_wait3A_111 : memref<272x128xi32, #tpu.memory_space<hbm>>) dst(%arg5 : memref<272x128xi32, #tpu.memory_space<vmem>>)
      tpu.yield
    }) : () -> ()
    %mul3A_3 = arith.constant 34816 : i32
    %mul3A_4 = arith.muli %add3A, %mul3A_3 : i32
    %dma_start3A = arith.constant 0 : i32
    %dma_start3A_5 = arith.constant 0 : i32
    %dma_start3A_6 = tpu.memref_slice %arg5[%dma_start3A, %dma_start3A_5] : memref<272x128xi32, #tpu.memory_space<vmem>> -> memref<1x128xi32, #tpu.memory_space<vmem>>
    %dma_start3A_7 = tpu.memref_squeeze %dma_start3A_6 : memref<1x128xi32, #tpu.memory_space<vmem>> -> memref<128xi32, #tpu.memory_space<vmem>>
    %dma_start3A_8 = arith.constant 0 : i32
    %dma_start3A_9 = arith.constant 0 : i32
    %dma_start3A_10 = tpu.memref_slice %arg2[%dma_start3A_8, %dma_start3A_9] : memref<29696x128xf32, #tpu.memory_space<hbm>> -> memref<29696x128xf32, #tpu.memory_space<hbm>>
    tpu.enqueue_indirect_dma source(%dma_start3A_10 : memref<29696x128xf32, #tpu.memory_space<hbm>>) target(%arg6 : memref<128x128xf32, #tpu.memory_space<vmem>>) offsets(%dma_start3A_7 : memref<128xi32, #tpu.memory_space<vmem>>) semaphore(%arg10 : memref<!tpu.dma_semaphore, #tpu.memory_space<semaphore_mem>>)
    %dma_start3A_11 = arith.constant 1 : i32
    %dma_start3A_12 = arith.constant 0 : i32
    %dma_start3A_13 = tpu.memref_slice %arg5[%dma_start3A_11, %dma_start3A_12] : memref<272x128xi32, #tpu.memory_space<vmem>> -> memref<1x128xi32, #tpu.memory_space<vmem>>
    %dma_start3A_14 = tpu.memref_squeeze %dma_start3A_13 : memref<1x128xi32, #tpu.memory_space<vmem>> -> memref<128xi32, #tpu.memory_space<vmem>>
    %dma_start3A_15 = arith.constant 0 : i32
    %dma_start3A_16 = arith.constant 0 : i32
    %dma_start3A_17 = tpu.memref_slice %arg2[%dma_start3A_15, %dma_start3A_16] : memref<29696x128xf32, #tpu.memory_space<hbm>> -> memref<29696x128xf32, #tpu.memory_space<hbm>>
    tpu.enqueue_indirect_dma source(%dma_start3A_17 : memref<29696x128xf32, #tpu.memory_space<hbm>>) target(%arg7 : memref<128x128xf32, #tpu.memory_space<vmem>>) offsets(%dma_start3A_14 : memref<128xi32, #tpu.memory_space<vmem>>) semaphore(%arg11 : memref<!tpu.dma_semaphore, #tpu.memory_space<semaphore_mem>>)
    %dma_start3A_18 = arith.constant 2 : i32
    %dma_start3A_19 = arith.constant 0 : i32
    %dma_start3A_20 = tpu.memref_slice %arg5[%dma_start3A_18, %dma_start3A_19] : memref<272x128xi32, #tpu.memory_space<vmem>> -> memref<1x128xi32, #tpu.memory_space<vmem>>
    %dma_start3A_21 = tpu.memref_squeeze %dma_start3A_20 : memref<1x128xi32, #tpu.memory_space<vmem>> -> memref<128xi32, #tpu.memory_space<vmem>>
    %dma_start3A_22 = arith.constant 0 : i32
    %dma_start3A_23 = arith.constant 0 : i32
    %dma_start3A_24 = tpu.memref_slice %arg2[%dma_start3A_22, %dma_start3A_23] : memref<29696x128xf32, #tpu.memory_space<hbm>> -> memref<29696x128xf32, #tpu.memory_space<hbm>>
    tpu.enqueue_indirect_dma source(%dma_start3A_24 : memref<29696x128xf32, #tpu.memory_space<hbm>>) target(%arg8 : memref<128x128xf32, #tpu.memory_space<vmem>>) offsets(%dma_start3A_21 : memref<128xi32, #tpu.memory_space<vmem>>) semaphore(%arg12 : memref<!tpu.dma_semaphore, #tpu.memory_space<semaphore_mem>>)
    %dma_start3A_25 = arith.constant 3 : i32
    %dma_start3A_26 = arith.constant 0 : i32
    %dma_start3A_27 = tpu.memref_slice %arg5[%dma_start3A_25, %dma_start3A_26] : memref<272x128xi32, #tpu.memory_space<vmem>> -> memref<1x128xi32, #tpu.memory_space<vmem>>
    %dma_start3A_28 = tpu.memref_squeeze %dma_start3A_27 : memref<1x128xi32, #tpu.memory_space<vmem>> -> memref<128xi32, #tpu.memory_space<vmem>>
    %dma_start3A_29 = arith.constant 0 : i32
    %dma_start3A_30 = arith.constant 0 : i32
    %dma_start3A_31 = tpu.memref_slice %arg2[%dma_start3A_29, %dma_start3A_30] : memref<29696x128xf32, #tpu.memory_space<hbm>> -> memref<29696x128xf32, #tpu.memory_space<hbm>>
    tpu.enqueue_indirect_dma source(%dma_start3A_31 : memref<29696x128xf32, #tpu.memory_space<hbm>>) target(%arg9 : memref<128x128xf32, #tpu.memory_space<vmem>>) offsets(%dma_start3A_28 : memref<128xi32, #tpu.memory_space<vmem>>) semaphore(%arg13 : memref<!tpu.dma_semaphore, #tpu.memory_space<semaphore_mem>>)
    %scan3A = arith.constant 0 : i32
    %scan3A_32 = arith.constant 0 : i32
    %scan3A_33 = arith.constant 67 : i32
    %scan3A_34 = arith.addi %scan3A_32, %scan3A_33 : i32
    %scan3A_35 = arith.constant 1 : i32
    scf.for %scan3A_104 = %scan3A_32 to %scan3A_34 step %scan3A_35  : i32 {
      %mul3A_105 = arith.constant 4 : i32
      %mul3A_106 = arith.muli %scan3A_104, %mul3A_105 : i32
      %dma_wait3A_107 = arith.constant 0 : i32
      %dma_wait3A_108 = arith.constant 0 : i32
      %dma_wait3A_109 = tpu.memref_slice %arg5[%dma_wait3A_107, %dma_wait3A_108] : memref<272x128xi32, #tpu.memory_space<vmem>> -> memref<1x128xi32, #tpu.memory_space<vmem>>
      %dma_wait3A_110 = tpu.memref_squeeze %dma_wait3A_109 : memref<1x128xi32, #tpu.memory_space<vmem>> -> memref<128xi32, #tpu.memory_space<vmem>>
      %dma_wait3A_111 = arith.constant 0 : i32
      %dma_wait3A_112 = arith.constant 0 : i32
      %dma_wait3A_113 = tpu.memref_slice %arg2[%dma_wait3A_111, %dma_wait3A_112] : memref<29696x128xf32, #tpu.memory_space<hbm>> -> memref<29696x128xf32, #tpu.memory_space<hbm>>
      tpu.wait_indirect_dma semaphore(%arg10 : memref<!tpu.dma_semaphore, #tpu.memory_space<semaphore_mem>>) src(%dma_wait3A_113 : memref<29696x128xf32, #tpu.memory_space<hbm>>) dst(%arg6 : memref<128x128xf32, #tpu.memory_space<vmem>>)
      %add3A_114 = arith.constant 0 : i32
      %add3A_115 = arith.addi %mul3A_106, %add3A_114 : i32
      %mul3A_116 = arith.constant 128 : i32
      %mul3A_117 = arith.muli %add3A_115, %mul3A_116 : i32
      %add3A_118 = arith.addi %mul3A_4, %mul3A_117 : i32
      %dma_start3A_119 = arith.constant 0 : i32
      %dma_start3A_120 = tpu.memref_slice %arg4[%add3A_118, %dma_start3A_119] : memref<1114112x128xf32, #tpu.memory_space<hbm>> -> memref<128x128xf32, #tpu.memory_space<hbm>>
      %dma_start3A_121 = arith.constant 0 : i32
      %dma_start3A_122 = tpu.memref_slice %arg4[%add3A_118, %dma_start3A_121] : memref<1114112x128xf32, #tpu.memory_space<hbm>> -> memref<128x128xf32, #tpu.memory_space<hbm>>
      tpu.enqueue_dma source(%arg6 : memref<128x128xf32, #tpu.memory_space<vmem>>) target(%dma_start3A_122 : memref<128x128xf32, #tpu.memory_space<hbm>>) target_semaphore(%arg14 : memref<!tpu.dma_semaphore, #tpu.memory_space<semaphore_mem>>)
      %dma_wait3A_123 = arith.constant 0 : i32
      %dma_wait3A_124 = arith.constant 0 : i32
      %dma_wait3A_125 = tpu.memref_slice %arg5[%dma_wait3A_123, %dma_wait3A_124] : memref<272x128xi32, #tpu.memory_space<vmem>> -> memref<1x128xi32, #tpu.memory_space<vmem>>
      %dma_wait3A_126 = tpu.memref_squeeze %dma_wait3A_125 : memref<1x128xi32, #tpu.memory_space<vmem>> -> memref<128xi32, #tpu.memory_space<vmem>>
      %dma_wait3A_127 = arith.constant 0 : i32
      %dma_wait3A_128 = arith.constant 0 : i32
      %dma_wait3A_129 = tpu.memref_slice %arg2[%dma_wait3A_127, %dma_wait3A_128] : memref<29696x128xf32, #tpu.memory_space<hbm>> -> memref<29696x128xf32, #tpu.memory_space<hbm>>
      tpu.wait_indirect_dma semaphore(%arg11 : memref<!tpu.dma_semaphore, #tpu.memory_space<semaphore_mem>>) src(%dma_wait3A_129 : memref<29696x128xf32, #tpu.memory_space<hbm>>) dst(%arg7 : memref<128x128xf32, #tpu.memory_space<vmem>>)
      %add3A_130 = arith.constant 1 : i32
      %add3A_131 = arith.addi %mul3A_106, %add3A_130 : i32
      %mul3A_132 = arith.constant 128 : i32
      %mul3A_133 = arith.muli %add3A_131, %mul3A_132 : i32
      %add3A_134 = arith.addi %mul3A_4, %mul3A_133 : i32
      %dma_start3A_135 = arith.constant 0 : i32
      %dma_start3A_136 = tpu.memref_slice %arg4[%add3A_134, %dma_start3A_135] : memref<1114112x128xf32, #tpu.memory_space<hbm>> -> memref<128x128xf32, #tpu.memory_space<hbm>>
      %dma_start3A_137 = arith.constant 0 : i32
      %dma_start3A_138 = tpu.memref_slice %arg4[%add3A_134, %dma_start3A_137] : memref<1114112x128xf32, #tpu.memory_space<hbm>> -> memref<128x128xf32, #tpu.memory_space<hbm>>
      tpu.enqueue_dma source(%arg7 : memref<128x128xf32, #tpu.memory_space<vmem>>) target(%dma_start3A_138 : memref<128x128xf32, #tpu.memory_space<hbm>>) target_semaphore(%arg15 : memref<!tpu.dma_semaphore, #tpu.memory_space<semaphore_mem>>)
      %dma_wait3A_139 = arith.constant 0 : i32
      %dma_wait3A_140 = arith.constant 0 : i32
      %dma_wait3A_141 = tpu.memref_slice %arg5[%dma_wait3A_139, %dma_wait3A_140] : memref<272x128xi32, #tpu.memory_space<vmem>> -> memref<1x128xi32, #tpu.memory_space<vmem>>
      %dma_wait3A_142 = tpu.memref_squeeze %dma_wait3A_141 : memref<1x128xi32, #tpu.memory_space<vmem>> -> memref<128xi32, #tpu.memory_space<vmem>>
      %dma_wait3A_143 = arith.constant 0 : i32
      %dma_wait3A_144 = arith.constant 0 : i32
      %dma_wait3A_145 = tpu.memref_slice %arg2[%dma_wait3A_143, %dma_wait3A_144] : memref<29696x128xf32, #tpu.memory_space<hbm>> -> memref<29696x128xf32, #tpu.memory_space<hbm>>
      tpu.wait_indirect_dma semaphore(%arg12 : memref<!tpu.dma_semaphore, #tpu.memory_space<semaphore_mem>>) src(%dma_wait3A_145 : memref<29696x128xf32, #tpu.memory_space<hbm>>) dst(%arg8 : memref<128x128xf32, #tpu.memory_space<vmem>>)
      %add3A_146 = arith.constant 2 : i32
      %add3A_147 = arith.addi %mul3A_106, %add3A_146 : i32
      %mul3A_148 = arith.constant 128 : i32
      %mul3A_149 = arith.muli %add3A_147, %mul3A_148 : i32
      %add3A_150 = arith.addi %mul3A_4, %mul3A_149 : i32
      %dma_start3A_151 = arith.constant 0 : i32
      %dma_start3A_152 = tpu.memref_slice %arg4[%add3A_150, %dma_start3A_151] : memref<1114112x128xf32, #tpu.memory_space<hbm>> -> memref<128x128xf32, #tpu.memory_space<hbm>>
      %dma_start3A_153 = arith.constant 0 : i32
      %dma_start3A_154 = tpu.memref_slice %arg4[%add3A_150, %dma_start3A_153] : memref<1114112x128xf32, #tpu.memory_space<hbm>> -> memref<128x128xf32, #tpu.memory_space<hbm>>
      tpu.enqueue_dma source(%arg8 : memref<128x128xf32, #tpu.memory_space<vmem>>) target(%dma_start3A_154 : memref<128x128xf32, #tpu.memory_space<hbm>>) target_semaphore(%arg16 : memref<!tpu.dma_semaphore, #tpu.memory_space<semaphore_mem>>)
      %dma_wait3A_155 = arith.constant 0 : i32
      %dma_wait3A_156 = arith.constant 0 : i32
      %dma_wait3A_157 = tpu.memref_slice %arg5[%dma_wait3A_155, %dma_wait3A_156] : memref<272x128xi32, #tpu.memory_space<vmem>> -> memref<1x128xi32, #tpu.memory_space<vmem>>
      %dma_wait3A_158 = tpu.memref_squeeze %dma_wait3A_157 : memref<1x128xi32, #tpu.memory_space<vmem>> -> memref<128xi32, #tpu.memory_space<vmem>>
      %dma_wait3A_159 = arith.constant 0 : i32
      %dma_wait3A_160 = arith.constant 0 : i32
      %dma_wait3A_161 = tpu.memref_slice %arg2[%dma_wait3A_159, %dma_wait3A_160] : memref<29696x128xf32, #tpu.memory_space<hbm>> -> memref<29696x128xf32, #tpu.memory_space<hbm>>
      tpu.wait_indirect_dma semaphore(%arg13 : memref<!tpu.dma_semaphore, #tpu.memory_space<semaphore_mem>>) src(%dma_wait3A_161 : memref<29696x128xf32, #tpu.memory_space<hbm>>) dst(%arg9 : memref<128x128xf32, #tpu.memory_space<vmem>>)
      %add3A_162 = arith.constant 3 : i32
      %add3A_163 = arith.addi %mul3A_106, %add3A_162 : i32
      %mul3A_164 = arith.constant 128 : i32
      %mul3A_165 = arith.muli %add3A_163, %mul3A_164 : i32
      %add3A_166 = arith.addi %mul3A_4, %mul3A_165 : i32
      %dma_start3A_167 = arith.constant 0 : i32
      %dma_start3A_168 = tpu.memref_slice %arg4[%add3A_166, %dma_start3A_167] : memref<1114112x128xf32, #tpu.memory_space<hbm>> -> memref<128x128xf32, #tpu.memory_space<hbm>>
      %dma_start3A_169 = arith.constant 0 : i32
      %dma_start3A_170 = tpu.memref_slice %arg4[%add3A_166, %dma_start3A_169] : memref<1114112x128xf32, #tpu.memory_space<hbm>> -> memref<128x128xf32, #tpu.memory_space<hbm>>
      tpu.enqueue_dma source(%arg9 : memref<128x128xf32, #tpu.memory_space<vmem>>) target(%dma_start3A_170 : memref<128x128xf32, #tpu.memory_space<hbm>>) target_semaphore(%arg17 : memref<!tpu.dma_semaphore, #tpu.memory_space<semaphore_mem>>)
      %dma_wait3A_171 = arith.constant 0 : i32
      %dma_wait3A_172 = tpu.memref_slice %arg4[%mul3A_4, %dma_wait3A_171] : memref<1114112x128xf32, #tpu.memory_space<hbm>> -> memref<128x128xf32, #tpu.memory_space<hbm>>
      %dma_wait3A_173 = arith.constant 0 : i32
      %dma_wait3A_174 = tpu.memref_slice %arg4[%mul3A_4, %dma_wait3A_173] : memref<1114112x128xf32, #tpu.memory_space<hbm>> -> memref<128x128xf32, #tpu.memory_space<hbm>>
      tpu.wait_dma2 semaphore(%arg14 : memref<!tpu.dma_semaphore, #tpu.memory_space<semaphore_mem>>) src(%arg6 : memref<128x128xf32, #tpu.memory_space<vmem>>) dst(%dma_wait3A_174 : memref<128x128xf32, #tpu.memory_space<hbm>>)
      %add3A_175 = arith.constant 4 : i32
      %add3A_176 = arith.addi %mul3A_106, %add3A_175 : i32
      %add3A_177 = arith.constant 0 : i32
      %add3A_178 = arith.addi %add3A_176, %add3A_177 : i32
      %dma_start3A_179 = arith.constant 0 : i32
      %dma_start3A_180 = tpu.memref_slice %arg5[%add3A_178, %dma_start3A_179] : memref<272x128xi32, #tpu.memory_space<vmem>> -> memref<1x128xi32, #tpu.memory_space<vmem>>
      %dma_start3A_181 = tpu.memref_squeeze %dma_start3A_180 : memref<1x128xi32, #tpu.memory_space<vmem>> -> memref<128xi32, #tpu.memory_space<vmem>>
      %dma_start3A_182 = arith.constant 0 : i32
      %dma_start3A_183 = arith.constant 0 : i32
      %dma_start3A_184 = tpu.memref_slice %arg2[%dma_start3A_182, %dma_start3A_183] : memref<29696x128xf32, #tpu.memory_space<hbm>> -> memref<29696x128xf32, #tpu.memory_space<hbm>>
      tpu.enqueue_indirect_dma source(%dma_start3A_184 : memref<29696x128xf32, #tpu.memory_space<hbm>>) target(%arg6 : memref<128x128xf32, #tpu.memory_space<vmem>>) offsets(%dma_start3A_181 : memref<128xi32, #tpu.memory_space<vmem>>) semaphore(%arg10 : memref<!tpu.dma_semaphore, #tpu.memory_space<semaphore_mem>>)
      %dma_wait3A_185 = arith.constant 0 : i32
      %dma_wait3A_186 = tpu.memref_slice %arg4[%mul3A_4, %dma_wait3A_185] : memref<1114112x128xf32, #tpu.memory_space<hbm>> -> memref<128x128xf32, #tpu.memory_space<hbm>>
      %dma_wait3A_187 = arith.constant 0 : i32
      %dma_wait3A_188 = tpu.memref_slice %arg4[%mul3A_4, %dma_wait3A_187] : memref<1114112x128xf32, #tpu.memory_space<hbm>> -> memref<128x128xf32, #tpu.memory_space<hbm>>
      tpu.wait_dma2 semaphore(%arg15 : memref<!tpu.dma_semaphore, #tpu.memory_space<semaphore_mem>>) src(%arg7 : memref<128x128xf32, #tpu.memory_space<vmem>>) dst(%dma_wait3A_188 : memref<128x128xf32, #tpu.memory_space<hbm>>)
      %add3A_189 = arith.constant 4 : i32
      %add3A_190 = arith.addi %mul3A_106, %add3A_189 : i32
      %add3A_191 = arith.constant 1 : i32
      %add3A_192 = arith.addi %add3A_190, %add3A_191 : i32
      %dma_start3A_193 = arith.constant 0 : i32
      %dma_start3A_194 = tpu.memref_slice %arg5[%add3A_192, %dma_start3A_193] : memref<272x128xi32, #tpu.memory_space<vmem>> -> memref<1x128xi32, #tpu.memory_space<vmem>>
      %dma_start3A_195 = tpu.memref_squeeze %dma_start3A_194 : memref<1x128xi32, #tpu.memory_space<vmem>> -> memref<128xi32, #tpu.memory_space<vmem>>
      %dma_start3A_196 = arith.constant 0 : i32
      %dma_start3A_197 = arith.constant 0 : i32
      %dma_start3A_198 = tpu.memref_slice %arg2[%dma_start3A_196, %dma_start3A_197] : memref<29696x128xf32, #tpu.memory_space<hbm>> -> memref<29696x128xf32, #tpu.memory_space<hbm>>
      tpu.enqueue_indirect_dma source(%dma_start3A_198 : memref<29696x128xf32, #tpu.memory_space<hbm>>) target(%arg7 : memref<128x128xf32, #tpu.memory_space<vmem>>) offsets(%dma_start3A_195 : memref<128xi32, #tpu.memory_space<vmem>>) semaphore(%arg11 : memref<!tpu.dma_semaphore, #tpu.memory_space<semaphore_mem>>)
      %dma_wait3A_199 = arith.constant 0 : i32
      %dma_wait3A_200 = tpu.memref_slice %arg4[%mul3A_4, %dma_wait3A_199] : memref<1114112x128xf32, #tpu.memory_space<hbm>> -> memref<128x128xf32, #tpu.memory_space<hbm>>
      %dma_wait3A_201 = arith.constant 0 : i32
      %dma_wait3A_202 = tpu.memref_slice %arg4[%mul3A_4, %dma_wait3A_201] : memref<1114112x128xf32, #tpu.memory_space<hbm>> -> memref<128x128xf32, #tpu.memory_space<hbm>>
      tpu.wait_dma2 semaphore(%arg16 : memref<!tpu.dma_semaphore, #tpu.memory_space<semaphore_mem>>) src(%arg8 : memref<128x128xf32, #tpu.memory_space<vmem>>) dst(%dma_wait3A_202 : memref<128x128xf32, #tpu.memory_space<hbm>>)
      %add3A_203 = arith.constant 4 : i32
      %add3A_204 = arith.addi %mul3A_106, %add3A_203 : i32
      %add3A_205 = arith.constant 2 : i32
      %add3A_206 = arith.addi %add3A_204, %add3A_205 : i32
      %dma_start3A_207 = arith.constant 0 : i32
      %dma_start3A_208 = tpu.memref_slice %arg5[%add3A_206, %dma_start3A_207] : memref<272x128xi32, #tpu.memory_space<vmem>> -> memref<1x128xi32, #tpu.memory_space<vmem>>
      %dma_start3A_209 = tpu.memref_squeeze %dma_start3A_208 : memref<1x128xi32, #tpu.memory_space<vmem>> -> memref<128xi32, #tpu.memory_space<vmem>>
      %dma_start3A_210 = arith.constant 0 : i32
      %dma_start3A_211 = arith.constant 0 : i32
      %dma_start3A_212 = tpu.memref_slice %arg2[%dma_start3A_210, %dma_start3A_211] : memref<29696x128xf32, #tpu.memory_space<hbm>> -> memref<29696x128xf32, #tpu.memory_space<hbm>>
      tpu.enqueue_indirect_dma source(%dma_start3A_212 : memref<29696x128xf32, #tpu.memory_space<hbm>>) target(%arg8 : memref<128x128xf32, #tpu.memory_space<vmem>>) offsets(%dma_start3A_209 : memref<128xi32, #tpu.memory_space<vmem>>) semaphore(%arg12 : memref<!tpu.dma_semaphore, #tpu.memory_space<semaphore_mem>>)
      %dma_wait3A_213 = arith.constant 0 : i32
      %dma_wait3A_214 = tpu.memref_slice %arg4[%mul3A_4, %dma_wait3A_213] : memref<1114112x128xf32, #tpu.memory_space<hbm>> -> memref<128x128xf32, #tpu.memory_space<hbm>>
      %dma_wait3A_215 = arith.constant 0 : i32
      %dma_wait3A_216 = tpu.memref_slice %arg4[%mul3A_4, %dma_wait3A_215] : memref<1114112x128xf32, #tpu.memory_space<hbm>> -> memref<128x128xf32, #tpu.memory_space<hbm>>
      tpu.wait_dma2 semaphore(%arg17 : memref<!tpu.dma_semaphore, #tpu.memory_space<semaphore_mem>>) src(%arg9 : memref<128x128xf32, #tpu.memory_space<vmem>>) dst(%dma_wait3A_216 : memref<128x128xf32, #tpu.memory_space<hbm>>)
      %add3A_217 = arith.constant 4 : i32
      %add3A_218 = arith.addi %mul3A_106, %add3A_217 : i32
      %add3A_219 = arith.constant 3 : i32
      %add3A_220 = arith.addi %add3A_218, %add3A_219 : i32
      %dma_start3A_221 = arith.constant 0 : i32
      %dma_start3A_222 = tpu.memref_slice %arg5[%add3A_220, %dma_start3A_221] : memref<272x128xi32, #tpu.memory_space<vmem>> -> memref<1x128xi32, #tpu.memory_space<vmem>>
      %dma_start3A_223 = tpu.memref_squeeze %dma_start3A_222 : memref<1x128xi32, #tpu.memory_space<vmem>> -> memref<128xi32, #tpu.memory_space<vmem>>
      %dma_start3A_224 = arith.constant 0 : i32
      %dma_start3A_225 = arith.constant 0 : i32
      %dma_start3A_226 = tpu.memref_slice %arg2[%dma_start3A_224, %dma_start3A_225] : memref<29696x128xf32, #tpu.memory_space<hbm>> -> memref<29696x128xf32, #tpu.memory_space<hbm>>
      tpu.enqueue_indirect_dma source(%dma_start3A_226 : memref<29696x128xf32, #tpu.memory_space<hbm>>) target(%arg9 : memref<128x128xf32, #tpu.memory_space<vmem>>) offsets(%dma_start3A_223 : memref<128xi32, #tpu.memory_space<vmem>>) semaphore(%arg13 : memref<!tpu.dma_semaphore, #tpu.memory_space<semaphore_mem>>)
    }
    %scan3A_36 = arith.constant 67 : i32
    %dma_wait3A = arith.constant 0 : i32
    %dma_wait3A_37 = arith.constant 0 : i32
    %dma_wait3A_38 = tpu.memref_slice %arg5[%dma_wait3A, %dma_wait3A_37] : memref<272x128xi32, #tpu.memory_space<vmem>> -> memref<1x128xi32, #tpu.memory_space<vmem>>
    %dma_wait3A_39 = tpu.memref_squeeze %dma_wait3A_38 : memref<1x128xi32, #tpu.memory_space<vmem>> -> memref<128xi32, #tpu.memory_space<vmem>>
    %dma_wait3A_40 = arith.constant 0 : i32
    %dma_wait3A_41 = arith.constant 0 : i32
    %dma_wait3A_42 = tpu.memref_slice %arg2[%dma_wait3A_40, %dma_wait3A_41] : memref<29696x128xf32, #tpu.memory_space<hbm>> -> memref<29696x128xf32, #tpu.memory_space<hbm>>
    tpu.wait_indirect_dma semaphore(%arg10 : memref<!tpu.dma_semaphore, #tpu.memory_space<semaphore_mem>>) src(%dma_wait3A_42 : memref<29696x128xf32, #tpu.memory_space<hbm>>) dst(%arg6 : memref<128x128xf32, #tpu.memory_space<vmem>>)
    %add3A_43 = arith.constant 34304 : i32
    %add3A_44 = arith.addi %mul3A_4, %add3A_43 : i32
    %dma_start3A_45 = arith.constant 0 : i32
    %dma_start3A_46 = tpu.memref_slice %arg4[%add3A_44, %dma_start3A_45] : memref<1114112x128xf32, #tpu.memory_space<hbm>> -> memref<128x128xf32, #tpu.memory_space<hbm>>
    %dma_start3A_47 = arith.constant 0 : i32
    %dma_start3A_48 = tpu.memref_slice %arg4[%add3A_44, %dma_start3A_47] : memref<1114112x128xf32, #tpu.memory_space<hbm>> -> memref<128x128xf32, #tpu.memory_space<hbm>>
    tpu.enqueue_dma source(%arg6 : memref<128x128xf32, #tpu.memory_space<vmem>>) target(%dma_start3A_48 : memref<128x128xf32, #tpu.memory_space<hbm>>) target_semaphore(%arg14 : memref<!tpu.dma_semaphore, #tpu.memory_space<semaphore_mem>>)
    %dma_wait3A_49 = arith.constant 0 : i32
    %dma_wait3A_50 = arith.constant 0 : i32
    %dma_wait3A_51 = tpu.memref_slice %arg5[%dma_wait3A_49, %dma_wait3A_50] : memref<272x128xi32, #tpu.memory_space<vmem>> -> memref<1x128xi32, #tpu.memory_space<vmem>>
    %dma_wait3A_52 = tpu.memref_squeeze %dma_wait3A_51 : memref<1x128xi32, #tpu.memory_space<vmem>> -> memref<128xi32, #tpu.memory_space<vmem>>
    %dma_wait3A_53 = arith.constant 0 : i32
    %dma_wait3A_54 = arith.constant 0 : i32
    %dma_wait3A_55 = tpu.memref_slice %arg2[%dma_wait3A_53, %dma_wait3A_54] : memref<29696x128xf32, #tpu.memory_space<hbm>> -> memref<29696x128xf32, #tpu.memory_space<hbm>>
    tpu.wait_indirect_dma semaphore(%arg11 : memref<!tpu.dma_semaphore, #tpu.memory_space<semaphore_mem>>) src(%dma_wait3A_55 : memref<29696x128xf32, #tpu.memory_space<hbm>>) dst(%arg7 : memref<128x128xf32, #tpu.memory_space<vmem>>)
    %add3A_56 = arith.constant 34432 : i32
    %add3A_57 = arith.addi %mul3A_4, %add3A_56 : i32
    %dma_start3A_58 = arith.constant 0 : i32
    %dma_start3A_59 = tpu.memref_slice %arg4[%add3A_57, %dma_start3A_58] : memref<1114112x128xf32, #tpu.memory_space<hbm>> -> memref<128x128xf32, #tpu.memory_space<hbm>>
    %dma_start3A_60 = arith.constant 0 : i32
    %dma_start3A_61 = tpu.memref_slice %arg4[%add3A_57, %dma_start3A_60] : memref<1114112x128xf32, #tpu.memory_space<hbm>> -> memref<128x128xf32, #tpu.memory_space<hbm>>
    tpu.enqueue_dma source(%arg7 : memref<128x128xf32, #tpu.memory_space<vmem>>) target(%dma_start3A_61 : memref<128x128xf32, #tpu.memory_space<hbm>>) target_semaphore(%arg15 : memref<!tpu.dma_semaphore, #tpu.memory_space<semaphore_mem>>)
    %dma_wait3A_62 = arith.constant 0 : i32
    %dma_wait3A_63 = arith.constant 0 : i32
    %dma_wait3A_64 = tpu.memref_slice %arg5[%dma_wait3A_62, %dma_wait3A_63] : memref<272x128xi32, #tpu.memory_space<vmem>> -> memref<1x128xi32, #tpu.memory_space<vmem>>
    %dma_wait3A_65 = tpu.memref_squeeze %dma_wait3A_64 : memref<1x128xi32, #tpu.memory_space<vmem>> -> memref<128xi32, #tpu.memory_space<vmem>>
    %dma_wait3A_66 = arith.constant 0 : i32
    %dma_wait3A_67 = arith.constant 0 : i32
    %dma_wait3A_68 = tpu.memref_slice %arg2[%dma_wait3A_66, %dma_wait3A_67] : memref<29696x128xf32, #tpu.memory_space<hbm>> -> memref<29696x128xf32, #tpu.memory_space<hbm>>
    tpu.wait_indirect_dma semaphore(%arg12 : memref<!tpu.dma_semaphore, #tpu.memory_space<semaphore_mem>>) src(%dma_wait3A_68 : memref<29696x128xf32, #tpu.memory_space<hbm>>) dst(%arg8 : memref<128x128xf32, #tpu.memory_space<vmem>>)
    %add3A_69 = arith.constant 34560 : i32
    %add3A_70 = arith.addi %mul3A_4, %add3A_69 : i32
    %dma_start3A_71 = arith.constant 0 : i32
    %dma_start3A_72 = tpu.memref_slice %arg4[%add3A_70, %dma_start3A_71] : memref<1114112x128xf32, #tpu.memory_space<hbm>> -> memref<128x128xf32, #tpu.memory_space<hbm>>
    %dma_start3A_73 = arith.constant 0 : i32
    %dma_start3A_74 = tpu.memref_slice %arg4[%add3A_70, %dma_start3A_73] : memref<1114112x128xf32, #tpu.memory_space<hbm>> -> memref<128x128xf32, #tpu.memory_space<hbm>>
    tpu.enqueue_dma source(%arg8 : memref<128x128xf32, #tpu.memory_space<vmem>>) target(%dma_start3A_74 : memref<128x128xf32, #tpu.memory_space<hbm>>) target_semaphore(%arg16 : memref<!tpu.dma_semaphore, #tpu.memory_space<semaphore_mem>>)
    %dma_wait3A_75 = arith.constant 0 : i32
    %dma_wait3A_76 = arith.constant 0 : i32
    %dma_wait3A_77 = tpu.memref_slice %arg5[%dma_wait3A_75, %dma_wait3A_76] : memref<272x128xi32, #tpu.memory_space<vmem>> -> memref<1x128xi32, #tpu.memory_space<vmem>>
    %dma_wait3A_78 = tpu.memref_squeeze %dma_wait3A_77 : memref<1x128xi32, #tpu.memory_space<vmem>> -> memref<128xi32, #tpu.memory_space<vmem>>
    %dma_wait3A_79 = arith.constant 0 : i32
    %dma_wait3A_80 = arith.constant 0 : i32
    %dma_wait3A_81 = tpu.memref_slice %arg2[%dma_wait3A_79, %dma_wait3A_80] : memref<29696x128xf32, #tpu.memory_space<hbm>> -> memref<29696x128xf32, #tpu.memory_space<hbm>>
    tpu.wait_indirect_dma semaphore(%arg13 : memref<!tpu.dma_semaphore, #tpu.memory_space<semaphore_mem>>) src(%dma_wait3A_81 : memref<29696x128xf32, #tpu.memory_space<hbm>>) dst(%arg9 : memref<128x128xf32, #tpu.memory_space<vmem>>)
    %add3A_82 = arith.constant 34688 : i32
    %add3A_83 = arith.addi %mul3A_4, %add3A_82 : i32
    %dma_start3A_84 = arith.constant 0 : i32
    %dma_start3A_85 = tpu.memref_slice %arg4[%add3A_83, %dma_start3A_84] : memref<1114112x128xf32, #tpu.memory_space<hbm>> -> memref<128x128xf32, #tpu.memory_space<hbm>>
    %dma_start3A_86 = arith.constant 0 : i32
    %dma_start3A_87 = tpu.memref_slice %arg4[%add3A_83, %dma_start3A_86] : memref<1114112x128xf32, #tpu.memory_space<hbm>> -> memref<128x128xf32, #tpu.memory_space<hbm>>
    tpu.enqueue_dma source(%arg9 : memref<128x128xf32, #tpu.memory_space<vmem>>) target(%dma_start3A_87 : memref<128x128xf32, #tpu.memory_space<hbm>>) target_semaphore(%arg17 : memref<!tpu.dma_semaphore, #tpu.memory_space<semaphore_mem>>)
    %dma_wait3A_88 = arith.constant 0 : i32
    %dma_wait3A_89 = tpu.memref_slice %arg4[%mul3A_4, %dma_wait3A_88] : memref<1114112x128xf32, #tpu.memory_space<hbm>> -> memref<128x128xf32, #tpu.memory_space<hbm>>
    %dma_wait3A_90 = arith.constant 0 : i32
    %dma_wait3A_91 = tpu.memref_slice %arg4[%mul3A_4, %dma_wait3A_90] : memref<1114112x128xf32, #tpu.memory_space<hbm>> -> memref<128x128xf32, #tpu.memory_space<hbm>>
    tpu.wait_dma2 semaphore(%arg14 : memref<!tpu.dma_semaphore, #tpu.memory_space<semaphore_mem>>) src(%arg6 : memref<128x128xf32, #tpu.memory_space<vmem>>) dst(%dma_wait3A_91 : memref<128x128xf32, #tpu.memory_space<hbm>>)
    %dma_wait3A_92 = arith.constant 0 : i32
    %dma_wait3A_93 = tpu.memref_slice %arg4[%mul3A_4, %dma_wait3A_92] : memref<1114112x128xf32, #tpu.memory_space<hbm>> -> memref<128x128xf32, #tpu.memory_space<hbm>>
    %dma_wait3A_94 = arith.constant 0 : i32
    %dma_wait3A_95 = tpu.memref_slice %arg4[%mul3A_4, %dma_wait3A_94] : memref<1114112x128xf32, #tpu.memory_space<hbm>> -> memref<128x128xf32, #tpu.memory_space<hbm>>
    tpu.wait_dma2 semaphore(%arg15 : memref<!tpu.dma_semaphore, #tpu.memory_space<semaphore_mem>>) src(%arg7 : memref<128x128xf32, #tpu.memory_space<vmem>>) dst(%dma_wait3A_95 : memref<128x128xf32, #tpu.memory_space<hbm>>)
    %dma_wait3A_96 = arith.constant 0 : i32
    %dma_wait3A_97 = tpu.memref_slice %arg4[%mul3A_4, %dma_wait3A_96] : memref<1114112x128xf32, #tpu.memory_space<hbm>> -> memref<128x128xf32, #tpu.memory_space<hbm>>
    %dma_wait3A_98 = arith.constant 0 : i32
    %dma_wait3A_99 = tpu.memref_slice %arg4[%mul3A_4, %dma_wait3A_98] : memref<1114112x128xf32, #tpu.memory_space<hbm>> -> memref<128x128xf32, #tpu.memory_space<hbm>>
    tpu.wait_dma2 semaphore(%arg16 : memref<!tpu.dma_semaphore, #tpu.memory_space<semaphore_mem>>) src(%arg8 : memref<128x128xf32, #tpu.memory_space<vmem>>) dst(%dma_wait3A_99 : memref<128x128xf32, #tpu.memory_space<hbm>>)
    %dma_wait3A_100 = arith.constant 0 : i32
    %dma_wait3A_101 = tpu.memref_slice %arg4[%mul3A_4, %dma_wait3A_100] : memref<1114112x128xf32, #tpu.memory_space<hbm>> -> memref<128x128xf32, #tpu.memory_space<hbm>>
    %dma_wait3A_102 = arith.constant 0 : i32
    %dma_wait3A_103 = tpu.memref_slice %arg4[%mul3A_4, %dma_wait3A_102] : memref<1114112x128xf32, #tpu.memory_space<hbm>> -> memref<128x128xf32, #tpu.memory_space<hbm>>
    tpu.wait_dma2 semaphore(%arg17 : memref<!tpu.dma_semaphore, #tpu.memory_space<semaphore_mem>>) src(%arg9 : memref<128x128xf32, #tpu.memory_space<vmem>>) dst(%dma_wait3A_103 : memref<128x128xf32, #tpu.memory_space<hbm>>)
    return
  }
}

module attributes {stable_mosaic.version = 14 : i64} {
  func.func @_idx_body(%arg0: i32, %arg1: memref<2048x64xi32, #tpu.memory_space<vmem>>, %arg2: memref<2048x3xi32, #tpu.memory_space<vmem>>, %arg3: memref<2048x68xi32, #tpu.memory_space<vmem>>) attributes {dimension_semantics = [#tpu.dimension_semantics<arbitrary>], iteration_bounds = array<i64: 8>, scalar_prefetch = 0 : i64, scratch_operands = 0 : i64, tpu.core_type = #tpu.core_type<tc>, window_params = [{transform_indices = @transform_0, window_bounds = array<i64: 2048, 64>}, {transform_indices = @transform_1, window_bounds = array<i64: 2048, 3>}, {transform_indices = @transform_2, window_bounds = array<i64: 2048, 68>}]} {
    %get3A = arith.constant 0 : index
    %get3A_0 = arith.constant 0 : index
    %get3A_1 = vector.load %arg1[%get3A, %get3A_0] : memref<2048x64xi32, #tpu.memory_space<vmem>>, vector<2048x64xi32>
    %iota3A = tpu.iota {dimensions = array<i32: 1>} : vector<1x64xi32>
    %mul3A = arith.constant 13 : i32
    %mul3A_2 = vector.broadcast %mul3A : i32 to vector<1x64xi32>
    %mul3A_3 = arith.muli %iota3A, %mul3A_2 : vector<1x64xi32>
    %get3A_4 = arith.constant 0 : index
    %get3A_5 = arith.constant 0 : index
    %get3A_6 = vector.load %arg2[%get3A_4, %get3A_5] : memref<2048x3xi32, #tpu.memory_space<vmem>>, vector<2048x3xi32>
    %broadcast_in_dim3A = arith.constant 915 : i32
    %broadcast_in_dim3A_7 = vector.broadcast %broadcast_in_dim3A : i32 to vector<2048x1xi32>
    %iota3A_8 = tpu.iota {dimensions = array<i32: 0>} : vector<2048x1xi32>
    %jit3A = arith.constant 512 : i32
    %div3A = vector.broadcast %jit3A : i32 to vector<2048x1xi32>
    %div3A_9 = arith.divsi %iota3A_8, %div3A : vector<2048x1xi32>
    %sign3A = arith.constant 0 : i32
    %sign3A_10 = vector.broadcast %sign3A : i32 to vector<2048x1xi32>
    %sign3A_11 = arith.cmpi sgt, %iota3A_8, %sign3A_10 : vector<2048x1xi32>
    %sign3A_12 = arith.extui %sign3A_11 : vector<2048x1xi1> to vector<2048x1xi32>
    %sign3A_13 = arith.constant 0 : i32
    %sign3A_14 = vector.broadcast %sign3A_13 : i32 to vector<2048x1xi32>
    %sign3A_15 = arith.cmpi slt, %iota3A_8, %sign3A_14 : vector<2048x1xi32>
    %sign3A_16 = arith.extui %sign3A_15 : vector<2048x1xi1> to vector<2048x1xi32>
    %sign3A_17 = arith.subi %sign3A_12, %sign3A_16 : vector<2048x1xi32>
    %sign3A_18 = arith.constant 0 : i32
    %sign3A_19 = arith.cmpi sgt, %jit3A, %sign3A_18 : i32
    %sign3A_20 = arith.extui %sign3A_19 : i1 to i32
    %sign3A_21 = arith.constant 0 : i32
    %sign3A_22 = arith.cmpi slt, %jit3A, %sign3A_21 : i32
    %sign3A_23 = arith.extui %sign3A_22 : i1 to i32
    %sign3A_24 = arith.subi %sign3A_20, %sign3A_23 : i32
    %ne3A = vector.broadcast %sign3A_24 : i32 to vector<2048x1xi32>
    %ne3A_25 = arith.cmpi ne, %sign3A_17, %ne3A : vector<2048x1xi32>
    %rem3A = vector.broadcast %jit3A : i32 to vector<2048x1xi32>
    %rem3A_26 = arith.remsi %iota3A_8, %rem3A : vector<2048x1xi32>
    %ne3A_27 = arith.constant 0 : i32
    %ne3A_28 = vector.broadcast %ne3A_27 : i32 to vector<2048x1xi32>
    %ne3A_29 = arith.cmpi ne, %rem3A_26, %ne3A_28 : vector<2048x1xi32>
    %and3A = arith.andi %ne3A_25, %ne3A_29 : vector<2048x1xi1>
    %sub3A = arith.constant 1 : i32
    %sub3A_30 = vector.broadcast %sub3A : i32 to vector<2048x1xi32>
    %sub3A_31 = arith.subi %div3A_9, %sub3A_30 : vector<2048x1xi32>
    %select_n3A = arith.select %and3A, %sub3A_31, %div3A_9 : vector<2048x1xi1>, vector<2048x1xi32>
    %mul3A_32 = arith.constant 4 : i32
    %mul3A_33 = arith.muli %arg0, %mul3A_32 : i32
    %add3A = vector.broadcast %mul3A_33 : i32 to vector<2048x1xi32>
    %add3A_34 = arith.addi %select_n3A, %add3A : vector<2048x1xi32>
    %mul3A_35 = arith.constant 928 : i32
    %mul3A_36 = vector.broadcast %mul3A_35 : i32 to vector<2048x1xi32>
    %mul3A_37 = arith.muli %add3A_34, %mul3A_36 : vector<2048x1xi32>
    %add3A_38 = vector.broadcast %mul3A_3 : vector<1x64xi32> to vector<2048x64xi32>
    %add3A_39 = arith.addi %get3A_1, %add3A_38 : vector<2048x64xi32>
    %slice3A = vector.extract_strided_slice %get3A_6 {offsets = [0, 0], sizes = [2048, 1], strides = [1, 1]} : vector<2048x3xi32> to vector<2048x1xi32>
    %add3A_40 = arith.constant 832 : i32
    %add3A_41 = vector.broadcast %add3A_40 : i32 to vector<2048x1xi32>
    %add3A_42 = arith.addi %slice3A, %add3A_41 : vector<2048x1xi32>
    %slice3A_43 = vector.extract_strided_slice %get3A_6 {offsets = [0, 1], sizes = [2048, 1], strides = [1, 1]} : vector<2048x3xi32> to vector<2048x1xi32>
    %add3A_44 = arith.constant 834 : i32
    %add3A_45 = vector.broadcast %add3A_44 : i32 to vector<2048x1xi32>
    %add3A_46 = arith.addi %slice3A_43, %add3A_45 : vector<2048x1xi32>
    %slice3A_47 = vector.extract_strided_slice %get3A_6 {offsets = [0, 2], sizes = [2048, 1], strides = [1, 1]} : vector<2048x3xi32> to vector<2048x1xi32>
    %add3A_48 = arith.constant 850 : i32
    %add3A_49 = vector.broadcast %add3A_48 : i32 to vector<2048x1xi32>
    %add3A_50 = arith.addi %slice3A_47, %add3A_49 : vector<2048x1xi32>
    %concatenate3A = tpu.concatenate %broadcast_in_dim3A_7, %add3A_39, %add3A_42, %add3A_46, %add3A_50 in 1 : vector<2048x1xi32>, vector<2048x64xi32>, vector<2048x1xi32>, vector<2048x1xi32>, vector<2048x1xi32> -> vector<2048x68xi32>
    %add3A_51 = vector.broadcast %mul3A_37 : vector<2048x1xi32> to vector<2048x68xi32>
    %add3A_52 = arith.addi %concatenate3A, %add3A_51 : vector<2048x68xi32>
    %swap3A = arith.constant 0 : index
    %swap3A_53 = arith.constant 0 : index
    %swap3A_54 = vector.load %arg3[%swap3A, %swap3A_53] : memref<2048x68xi32, #tpu.memory_space<vmem>>, vector<2048x68xi32>
    tpu.vector_store %arg3[%swap3A, %swap3A_53], %add3A_52 {strides = array<i32>} : memref<2048x68xi32, #tpu.memory_space<vmem>>, vector<2048x68xi32>,
    return
  }
  func.func @transform_0(%arg0: i32) -> (i32, i32) {
    %c0_i32 = arith.constant 0 : i32
    %c0_i32_0 = arith.constant 0 : i32
    return %arg0, %c0_i32 : i32, i32
  }
  func.func @transform_1(%arg0: i32) -> (i32, i32) {
    %c0_i32 = arith.constant 0 : i32
    %c0_i32_0 = arith.constant 0 : i32
    return %arg0, %c0_i32 : i32, i32
  }
  func.func @transform_2(%arg0: i32) -> (i32, i32) {
    %c0_i32 = arith.constant 0 : i32
    %c0_i32_0 = arith.constant 0 : i32
    return %arg0, %c0_i32 : i32, i32
  }
}

module attributes {stable_mosaic.version = 14 : i64} {
  func.func @_table_body(%arg0: i32, %arg1: memref<13x128xf32, #tpu.memory_space<vmem>>, %arg2: memref<64x128xf32, #tpu.memory_space<vmem>>, %arg3: memref<2x128xf32, #tpu.memory_space<vmem>>, %arg4: memref<16x128xf32, #tpu.memory_space<vmem>>, %arg5: memref<65x128xf32, #tpu.memory_space<vmem>>, %arg6: memref<1x128xf32, #tpu.memory_space<vmem>>, %arg7: memref<928x128xf32, #tpu.memory_space<vmem>>) attributes {dimension_semantics = [#tpu.dimension_semantics<arbitrary>], iteration_bounds = array<i64: 32>, scalar_prefetch = 0 : i64, scratch_operands = 0 : i64, tpu.core_type = #tpu.core_type<tc>, window_params = [{pipeline_mode = #tpu.pipeline_mode<synchronous>, transform_indices = @transform_0, window_bounds = array<i64: 13, 128>}, {pipeline_mode = #tpu.pipeline_mode<synchronous>, transform_indices = @transform_1, window_bounds = array<i64: 64, 128>}, {pipeline_mode = #tpu.pipeline_mode<synchronous>, transform_indices = @transform_2, window_bounds = array<i64: 2, 128>}, {pipeline_mode = #tpu.pipeline_mode<synchronous>, transform_indices = @transform_3, window_bounds = array<i64: 16, 128>}, {pipeline_mode = #tpu.pipeline_mode<synchronous>, transform_indices = @transform_4, window_bounds = array<i64: 65, 128>}, {pipeline_mode = #tpu.pipeline_mode<synchronous>, transform_indices = @transform_5, window_bounds = array<i64: 1, 128>}, {transform_indices = @transform_6, window_bounds = array<i64: 928, 128>}]} {
    %get3A = arith.constant 0 : index
    %get3A_0 = arith.constant 0 : index
    %get3A_1 = vector.load %arg1[%get3A, %get3A_0] : memref<13x128xf32, #tpu.memory_space<vmem>>, vector<13x128xf32>
    %get3A_2 = arith.constant 0 : index
    %get3A_3 = arith.constant 0 : index
    %get3A_4 = vector.load %arg2[%get3A_2, %get3A_3] : memref<64x128xf32, #tpu.memory_space<vmem>>, vector<64x128xf32>
    %broadcast_in_dim3A = vector.shape_cast %get3A_4 : vector<64x128xf32> to vector<64x1x128xf32>
    %broadcast_in_dim3A_5 = vector.shape_cast %get3A_1 : vector<13x128xf32> to vector<1x13x128xf32>
    %add3A = vector.broadcast %broadcast_in_dim3A : vector<64x1x128xf32> to vector<64x13x128xf32>
    %add3A_6 = vector.broadcast %broadcast_in_dim3A_5 : vector<1x13x128xf32> to vector<64x13x128xf32>
    %add3A_7 = arith.addf %add3A, %add3A_6 : vector<64x13x128xf32>
    %reshape3A = vector.shape_cast %add3A_7 : vector<64x13x128xf32> to vector<832x128xf32>
    %broadcast_in_dim3A_8 = arith.constant 0.000000e+00 : f32
    %broadcast_in_dim3A_9 = vector.broadcast %broadcast_in_dim3A_8 : f32 to vector<13x128xf32>
    %get3A_10 = arith.constant 0 : index
    %get3A_11 = arith.constant 0 : index
    %get3A_12 = vector.load %arg3[%get3A_10, %get3A_11] : memref<2x128xf32, #tpu.memory_space<vmem>>, vector<2x128xf32>
    %get3A_13 = arith.constant 0 : index
    %get3A_14 = arith.constant 0 : index
    %get3A_15 = vector.load %arg4[%get3A_13, %get3A_14] : memref<16x128xf32, #tpu.memory_space<vmem>>, vector<16x128xf32>
    %get3A_16 = arith.constant 0 : index
    %get3A_17 = arith.constant 0 : index
    %get3A_18 = vector.load %arg5[%get3A_16, %get3A_17] : memref<65x128xf32, #tpu.memory_space<vmem>>, vector<65x128xf32>
    %concatenate3A = tpu.concatenate %reshape3A, %get3A_12, %get3A_15, %get3A_18, %broadcast_in_dim3A_9 in 0 : vector<832x128xf32>, vector<2x128xf32>, vector<16x128xf32>, vector<65x128xf32>, vector<13x128xf32> -> vector<928x128xf32>
    %mul3A = arith.mulf %concatenate3A, %concatenate3A : vector<928x128xf32>
    %reduce_sum3A = arith.constant dense<0.000000e+00> : vector<928xf32>
    %reduce_sum3A_19 = vector.multi_reduction <add>, %mul3A, %reduce_sum3A [1] : vector<928x128xf32> to vector<928xf32>
    %broadcast_in_dim3A_20 = vector.shape_cast %reduce_sum3A_19 : vector<928xf32> to vector<928x1xf32>
    %div3A = arith.constant 1.280000e+02 : f32
    %div3A_21 = vector.broadcast %div3A : f32 to vector<928x1xf32>
    %div3A_22 = arith.divf %broadcast_in_dim3A_20, %div3A_21 : vector<928x1xf32>
    %add3A_23 = arith.constant 9.99999997E-7 : f32
    %add3A_24 = vector.broadcast %add3A_23 : f32 to vector<928x1xf32>
    %add3A_25 = arith.addf %div3A_22, %add3A_24 : vector<928x1xf32>
    %rsqrt3A = math.rsqrt %add3A_25 : vector<928x1xf32>
    %mul3A_26 = vector.broadcast %rsqrt3A : vector<928x1xf32> to vector<928x128xf32>
    %mul3A_27 = arith.mulf %concatenate3A, %mul3A_26 : vector<928x128xf32>
    %get3A_28 = arith.constant 0 : index
    %get3A_29 = arith.constant 0 : index
    %get3A_30 = vector.load %arg6[%get3A_28, %get3A_29] : memref<1x128xf32, #tpu.memory_space<vmem>>, vector<1x128xf32>
    %mul3A_31 = vector.broadcast %get3A_30 : vector<1x128xf32> to vector<928x128xf32>
    %mul3A_32 = arith.mulf %mul3A_27, %mul3A_31 : vector<928x128xf32>
    %swap3A = arith.constant 0 : index
    %swap3A_33 = arith.constant 0 : index
    %swap3A_34 = vector.load %arg7[%swap3A, %swap3A_33] : memref<928x128xf32, #tpu.memory_space<vmem>>, vector<928x128xf32>
    tpu.vector_store %arg7[%swap3A, %swap3A_33], %mul3A_32 {strides = array<i32>} : memref<928x128xf32, #tpu.memory_space<vmem>>, vector<928x128xf32>,
    return
  }
  func.func @transform_0(%arg0: i32) -> (i32, i32) {
    %c0_i32 = arith.constant 0 : i32
    %c0_i32_0 = arith.constant 0 : i32
    %c0_i32_1 = arith.constant 0 : i32
    return %c0_i32, %c0_i32_0 : i32, i32
  }
  func.func @transform_1(%arg0: i32) -> (i32, i32) {
    %c0_i32 = arith.constant 0 : i32
    %c0_i32_0 = arith.constant 0 : i32
    %c0_i32_1 = arith.constant 0 : i32
    return %c0_i32, %c0_i32_0 : i32, i32
  }
  func.func @transform_2(%arg0: i32) -> (i32, i32) {
    %c0_i32 = arith.constant 0 : i32
    %c0_i32_0 = arith.constant 0 : i32
    %c0_i32_1 = arith.constant 0 : i32
    return %c0_i32, %c0_i32_0 : i32, i32
  }
  func.func @transform_3(%arg0: i32) -> (i32, i32) {
    %c0_i32 = arith.constant 0 : i32
    %c0_i32_0 = arith.constant 0 : i32
    %c0_i32_1 = arith.constant 0 : i32
    return %c0_i32, %c0_i32_0 : i32, i32
  }
  func.func @transform_4(%arg0: i32) -> (i32, i32) {
    %c0_i32 = arith.constant 0 : i32
    %c0_i32_0 = arith.constant 0 : i32
    %c0_i32_1 = arith.constant 0 : i32
    return %c0_i32, %c0_i32_0 : i32, i32
  }
  func.func @transform_5(%arg0: i32) -> (i32, i32) {
    %c0_i32 = arith.constant 0 : i32
    %c0_i32_0 = arith.constant 0 : i32
    %c0_i32_1 = arith.constant 0 : i32
    return %c0_i32, %c0_i32_0 : i32, i32
  }
  func.func @transform_6(%arg0: i32) -> (i32, i32) {
    %c0_i32 = arith.constant 0 : i32
    %c0_i32_0 = arith.constant 0 : i32
    return %arg0, %c0_i32 : i32, i32
  }
}

</mosaic_0001>

<sc_bundles>
// kernel: kernel.5.cloned.1.call-start
scs
__scs_entry_jumppad:
0x0: {  	(pc) =	sbr.rel $0x88, $3  }
0x1: {  	(tag) =	ssettag $0x0;
	lr =	simm.s32 $0x1  }
0x2: {  	[smem:$0x3F99] =	sst lr;
	_ =	strace $0xD0000000  }
0x3: {  	_ = 	snop  }
0x4: {  	_ = 	snop  }
0x5: {  	_ = 	snop  }
0x6: {  	_ = 	snop  }
0x7: {  	_ = 	snop  }
__scs_overlays_trampoline_lowered:
0x8: {  	[smem:$0x3FA8] =	sst s0  }
0x9: {  	[smem:$0x3FA9] =	sst s1  }
0xa: {  	[smem:$0x3FAA] =	sst s2  }
0xb: {  	[smem:$0x3FAB] =	sst s3  }
0xc: {  	[smem:$0x3FAC] =	sst s4  }
0xd: {  	[smem:$0x3FAD] =	sst s5  }
0xe: {  	[smem:$0x3FAE] =	sst s6  }
0xf: {  	[smem:$0x3FAF] =	sst s7  }
0x10: {  	[smem:$0x3FB0] =	sst s8  }
0x11: {  	[smem:$0x3FB1] =	sst s9;
	s0 =	simm.s32 @!p0 $0x0  }
0x12: {  	s1 =	sld [smem:$0x3F97];
	s0 =	simm.s32 @p0 $0x1  }
0x13: {  	[smem:$0x3FB2] =	sst s0;
	s0 =	simm.s32 @!p1 $0x0  }
0x14: {  	s2 =	sld [smem:$0x3F96];
	s0 =	simm.s32 @p1 $0x1  }
0x15: {  	[smem:$0x3FB3] =	sst s0;
	s0 =	simm.s32 @!p2 $0x0  }
0x16: {  	s3 =	sld [smem:$0x3FDB];
	s0 =	simm.s32 @p2 $0x1  }
0x17: {  	s4 =	simm.s32 $0x1BF5;
	[smem:$0x3FB5] =	sst s0  }
0x18: {  	s0 =	sld [smem:$0x3F98];
	_ =	swait.ge [sflag:s4], $0x0  }
0x19: {  	s7 =	sld [smem:$0x3F99]  }
0x1a: {  	s8 =	sadd.s32 $0xFFFFE003, lr  }
0x1b: {  	s9 =	sadd.s32 $0xFFFFFEF7, lr;
	s5 =	simm.s32 $0xFFFFFFFF;
	p2 =	slt.u32 s8, $0xFFFFF086  }
0x1c: {  	p1 =	slt.u32 s9, $0xF7A;
	s5 =	simm.s32 @!p2 $0x0  }
0x1d: {  	s5 =	simm.s32 @p1 $0x1;
	p0 =	seq.s32 s7, s2  }
0x1e: {  	s7 =	smul.u32 @!p0 $0xF7A, s2;
	p2 =	seq.s32 @!p0 s5, $0x0  }
0x1f: {  	s9 =	smul.u32 $0xF7A, s1;
	s8 =	simm.s32 @!p0 $0x1BF5;
	p2 =	por !p2, p0  }
0x20: {  	[sflag:s8] =	ssyncset.s32 @!p0 $0xFFFFF086;
	s6 =	sadd.s32 @!p0 s3, s7;
	s7 =	simm.s32 @!p0 $0x108  }
0x21: {  	s3 =	sadd.s32 s3, s9;
	s6 =	sadd.s32 @!p0 $0x88, s6;
	s7 =	simm.s32 @p2 $0x1082  }
0x22: {  	[simem:s7], [sflag:s8] =	dma.local @!p0 [hbm:s6], $0xF7A  }
0x23: {  	s9 =	sor.u32 $0xD0000000, s2;
	s6 =	simm.s32 $0x108;
	_ =	swait.ge @!p0 [sflag:s8], $0x0  }
0x24: {  	s3 =	sadd.s32 $0x88, s3;
	s6 =	simm.s32 @!p1 $0x1082;
	[sflag:s4] =	ssyncset.s32 $0xFFFFF086  }
0x25: {  	[simem:s6], [sflag:s4] =	dma.local [hbm:s3], $0xF7A  }
0x26: {  	[smem:$0x3F99] =	sst s1;
	(tag) =	ssettag s2;
	_ =	strace s9  }
0x27: {  	s1 =	sld [smem:$0x3FA9]  }
0x28: {  	s2 =	sld [smem:$0x3FAA]  }
0x29: {  	s4 =	sld [smem:$0x3FAC]  }
0x2a: {  	p0 =	seq.s32 s5, $0x0;
	s5 =	sld [smem:$0x3FAD]  }
0x2b: {  	s6 =	sld [smem:$0x3FAE]  }
0x2c: {  	s7 =	sld [smem:$0x3FAF]  }
0x2d: {  	s3 =	simm.s32 $0x108;
	s8 =	sld [smem:$0x3FB0]  }
0x2e: {  	s3 =	simm.s32 @!p0 $0x1082;
	s9 =	sld [smem:$0x3FB1]  }
0x2f: {  	lr =	sadd.s32 s0, s3;
	s0 =	sld [smem:$0x3FA8]  }
0x30: {  	s3 =	sld [smem:$0x3FAB]  }
0x31: {  	[smem:$0x3FB4] =	sst s10  }
0x32: {  	s10 =	sld [smem:$0x3FB2];
	_ =	sdelay $0x3  }
0x33: {  	p0 =	seq.s32 s10, $0x1;
	s10 =	sld [smem:$0x3FB4];
	_ =	sdelay $0x3  }
0x34: {  	[smem:$0x3FB4] =	sst s10  }
0x35: {  	s10 =	sld [smem:$0x3FB3];
	_ =	sdelay $0x3  }
0x36: {  	p1 =	seq.s32 s10, $0x1;
	s10 =	sld [smem:$0x3FB4];
	_ =	sdelay $0x3  }
0x37: {  	[smem:$0x3FB4] =	sst s10  }
0x38: {  	s10 =	sld [smem:$0x3FB5]  }
0x39: {  	_ = 	snop;
	(pc) =	sbr.ind lr, $3  }
0x3a: {  	_ = 	snop  }
0x3b: {  	_ = 	snop  }
0x3c: {  	p2 =	seq.s32 s10, $0x1;
	s10 =	sld [smem:$0x3FB4]  }
0x3d: {  	_ =	shalt  }
0x3e: {  	_ =	shalt  }
0x3f: {  	_ =	shalt  }
0x40: {  	_ =	shalt  }
0x41: {  	_ =	shalt  }
0x42: {  	_ =	shalt  }
0x43: {  	_ =	shalt  }
0x44: {  	_ =	shalt  }
0x45: {  	_ =	shalt  }
0x46: {  	_ =	shalt  }
0x47: {  	_ =	shalt  }
0x48: {  	_ =	shalt  }
0x49: {  	_ =	shalt  }
0x4a: {  	_ =	shalt  }
0x4b: {  	_ =	shalt  }
0x4c: {  	_ =	shalt  }
0x4d: {  	_ =	shalt  }
0x4e: {  	_ =	shalt  }
0x4f: {  	_ =	shalt  }
0x50: {  	_ =	shalt  }
0x51: {  	_ =	shalt  }
0x52: {  	_ =	shalt  }
0x53: {  	_ =	shalt  }
0x54: {  	_ =	shalt  }
0x55: {  	_ =	shalt  }
0x56: {  	_ =	shalt  }
0x57: {  	_ =	shalt  }
0x58: {  	_ =	shalt  }
0x59: {  	_ =	shalt  }
0x5a: {  	_ =	shalt  }
0x5b: {  	_ =	shalt  }
0x5c: {  	_ =	shalt  }
0x5d: {  	_ =	shalt  }
0x5e: {  	_ =	shalt  }
0x5f: {  	_ =	shalt  }
0x60: {  	_ =	shalt  }
0x61: {  	_ =	shalt  }
0x62: {  	_ =	shalt  }
0x63: {  	_ =	shalt  }
0x64: {  	_ =	shalt  }
0x65: {  	_ =	shalt  }
0x66: {  	_ =	shalt  }
0x67: {  	_ =	shalt  }
0x68: {  	_ =	shalt  }
0x69: {  	_ =	shalt  }
0x6a: {  	_ =	shalt  }
0x6b: {  	_ =	shalt  }
0x6c: {  	_ =	shalt  }
0x6d: {  	_ =	shalt  }
0x6e: {  	_ =	shalt  }
0x6f: {  	_ =	shalt  }
0x70: {  	_ =	shalt  }
0x71: {  	_ =	shalt  }
0x72: {  	_ =	shalt  }
0x73: {  	_ =	shalt  }
0x74: {  	_ =	shalt  }
0x75: {  	_ =	shalt  }
0x76: {  	_ =	shalt  }
0x77: {  	_ =	shalt  }
0x78: {  	_ =	shalt  }
0x79: {  	_ =	shalt  }
0x7a: {  	_ =	shalt  }
0x7b: {  	_ =	shalt  }
0x7c: {  	_ =	shalt  }
0x7d: {  	_ =	shalt  }
0x7e: {  	_ =	shalt  }
0x7f: {  	_ =	shalt  }
0x80: {  	_ =	shalt  }
0x81: {  	_ =	shalt  }
0x82: {  	_ =	shalt  }
0x83: {  	_ =	shalt  }
0x84: {  	_ =	shalt  }
0x85: {  	_ =	shalt  }
0x86: {  	_ =	shalt  }
0x87: {  	_ =	shalt  }
.Lfunc_end0:
.L_simem_size_0:
called_computation.1_lowered:
.L_overlay_start_0:
0x88: {  	s2 =	sld [smem:$0x3FD9]  }
0x89: {  	s3 =	sld [smem:$0x3FFE];
	_ =	sdelay $0x1  }
0x8a: {  	s1 =	srdreg.scid  }
0x8b: {  	s0 =	sand.u32 $0x1, s1  }
0x8c: {  	s17 =	sshll.u32 s0, $0xA;
	s2 =	sadd.s32 s3, s2  }
0x8d: {  	s2 =	sadd.s32 s2, s17  }
0x8e: {  	[smem:$0x3FC0] =	sst s2  }
0x8f: {  	_ = 	snop  }
0x90: {  	s2 =	sld [smem:$0x3FD0];
	(tm) =	ssettm $0x1  }
0x91: {  	s18 =	sld [smem:$0x3FFB];
	_ =	sdelay $0x3  }
0x92: {  	_ =	strace s18  }
0x93: {  	s3 =	sld [smem:$0x3FFC];
	_ =	sdelay $0x3  }
0x94: {  	_ =	strace s3  }
0x95: {  	s3 =	sld [smem:$0x3FFD];
	_ =	sdelay $0x3  }
0x96: {  	_ =	strace s3  }
0x97: {  	_ =	strace $0x8FFFFFFF  }
0x98: {  	s19 =	sld [smem:$0x3FDB];
	_ =	sdelay $0x1  }
0x99: {  	s4 =	simm.s32 $_scs_section_size  }
0x9a: {  	s5 =	simm.s32 $_size__tile_overlayer_lowered;
	s6 =	simm.s32 $_tile_overlayer_lowered  }
0x9b: {  	s22 =	simm.s32 $0x1BFF;
	s21 =	sshll.u32 s6, $0x1;
	s3 =	sadd.s32 s4, s19  }
0x9c: {  	s7 =	simm.s32 $0x0;
	s20 =	sshll.u32 s5, $0x1;
	s5 =	sadd.s32 s21, s3  }
0x9d: {  	[timem:s7], [sflag:s22] =	dma.local [hbm:s5], s20  }
0x9e: {  	_ =	swait.ge [sflag:s22], s20  }
0x9f: {  	s4 =	ssub.s32 $0x0, s20;
	[sflag:s22] =	ssyncset.done $0x0  }
0xa0: {  	[sflag:s22] =	ssyncadd.s32 s4;
	_ =	sdelay $0x1  }
0xa1: {  	s23 =	simm.s32 $0x1B8B  }
0xa2: {  	_ =	swait.ge [sflag:s23], $0x1  }
0xa3: {  	[sflag:s23] =	ssyncset.done $0x0  }
0xa4: {  	s25 =	simm.s32 $0x1B8E;
	s24 =	sld [smem:$0x3FFE];
	[sflag:s23] =	ssyncadd.s32 $0xFFFFFFFF  }
0xa5: {  	s26 =	simm.s32 $execute0_lowered;
	[smem:$0x3FD2] =	sst s25  }
0xa6: {  	s5 =	sshll.u32 s26, $0x1;
	_ =	strace $0x80000046;
	[dreg:$0x1] =	wrdreg $0xFFFFFFFF  }
0xa7: {  	s28 =	simm.s32 $_size_execute0_lowered;
	s3 =	sadd.s32 s3, s5;
	[dreg:$0x0] =	wrdreg $0x0  }
0xa8: {  	s5 =	sshll.u32 s28, $0x1;
	[dreg:$0x2] =	wrdreg s3  }
0xa9: {  	[dreg:$0x3] =	wrdreg s5  }
0xaa: {  	[dreg:$0x4] =	wrdreg $0xC0  }
0xab: {  	_ =	task [dreg:s7], $0x5FFFF  }
0xac: {  	[dreg:$0x1] =	wrdreg $0xFFFFFFFF  }
0xad: {  	[dreg:$0x0] =	wrdreg $0x60  }
0xae: {  	[dreg:$0x2] =	wrdreg s24  }
0xaf: {  	[dreg:$0x3] =	wrdreg s2  }
0xb0: {  	[dreg:$0x4] =	wrdreg $0x9  }
0xb1: {  	_ =	task.clear_ibuf [dreg:s7], $0x5FFFF;
	_ =	strace $0x90000046  }
0xb2: {  	s29 =	simm.s32 $0x9;
	_ =	strace $0x80000048  }
0xb3: {  	_ =	swait.ge [sflag:s29], $0x1  }
0xb4: {  	[sflag:s29] =	ssyncadd.s32 $0xFFFFFFFF  }
0xb5: {  	_ =	strace $0x90000048  }
0xb6: {  	_ =	sfence  }
0xb7: {  	s30 =	sld [smem:$0x0];
	_ =	sdelay $0x2  }
0xb8: {  	s31 =	sshll.u32 s1, $0xD;
	s1 =	sshrl.u32 s1, $0x2  }
0xb9: {  	s3 =	sand.u32 $0x4000, s31;
	s1 =	sadd.s32 s1, s30  }
0xba: {  	s0 =	sor.u32 s3, s0;
	s1 =	sshll.u32 s1, $0x11  }
0xbb: {  	s0 =	sor.u32 s1, s0  }
0xbc: {  	s0 =	sadd.s32 $0x8F2B, s0  }
0xbd: {  	[sflag:s0] =	ssyncadd.remote.s32 $0x1  }
0xbe: {  	_ =	sfence.sel $0xFFFF  }
0xbf: {  	[dreg:$0x0] =	wrdreg $0xFFFFFFFF;
	(pc) =	sbr.abs _section_cstart, $3  }
0xc0: {  	[dreg:$0x1] =	wrdreg $0xFFFFFFFF  }
0xc1: {  	_ =	task.clear_ibuf [dreg:s7], $0x2FFFF;
	_ =	strace $0x9FFFFFFF  }
0xc2: {  	(tm) =	ssettm $0x7FFFFFFF  }
0xc3: {  	_ =	shalt  }
tec
execute0_lowered:
.L_overlay_start_1:
0x0: {  	(tag) =	ssettag $0x1  }
0x1: {  	s1 =	rddreg [dreg:$0x0];
	s2 =	srdreg.scid  }
0x2: {  	s0 =	stileid.u32;
	s11 =	rddreg [dreg:$0x1];
	s14 =	simm.s32 $0x8800  }
0x3: {  	s15 =	simm.s32 $0xC800;
	s17 =	simm.s32 $0x10800;
	s18 =	simm.s32 $0x180  }
0x4: {  	s19 =	simm.s32 $0x14800;
	s20 =	simm.s32 $0x1;
	s21 =	simm.s32 $0x2  }
0x5: {  	s22 =	simm.s32 $0x3;
	s23 =	simm.s32 $0x4;
	s8 =	smul.u32 $0x880000, s0  }
0x6: {  	s28 =	simm.s32 $0x8;
	s9 =	sand.u32 $0x1, s2;
	s26 =	smul.u32 $0x110000, s0  }
0x7: {  	s29 =	simm.s32 $0x0;
	s3 =	sshll.u32 s0, $0x1;
	s13 =	smul.u32 $0x440000, s9  }
0x8: {  	s2 =	simm.s32 $0x0;
	s3 =	sor.u32 s9, s3;
	s30 =	smul.u32 $0x88000, s9  }
0x9: {  	[smem:$0x7FF] =	sst s2;
	s24 =	ssub.s32 $0x2, s9;
	s4 =	smul.u32 $0x1100, s3  }
0xa: {  	_ =	strace $0x80000047;
	s5 =	smul.u32 $0x440000, s3;
	s3 =	sadd.s32 $0x23800, s1  }
0xb: {  	s6 =	sshrl.u32 s24, $0x1;
	s31 =	sadd.s32 s26, s11;
	s26 =	simm.s32 $0x7  }
0xc: {  	s10 =	ssub.s32 s24, s6;
	s25 =	sadd.s32 s13, s8;
	s13 =	simm.s32 $0x80  }
0xd: {  	s24 =	simm.s32 $0x5;
	s1 =	sadd.s32 s4, s1;
	s5 =	sshrl.u32 s5, $0x3  }
0xe: {  	s9 =	smax.u32 s10, $0x1;
	s12 =	sadd.s32 s11, s5;
	s4 =	sadd.s32 $0x1800, s1  }
0xf: {  	s1 =	sshrl.u32 s25, $0x3;
	s25 =	simm.s32 $0x6;
	s5 =	sadd.s32 $0x86000, s12  }
0x10: {  	s6 =	sadd.s32 $0x86800, s12;
	s7 =	sadd.s32 $0x87000, s12;
	s8 =	sadd.s32 $0x87800, s12  }
0x11: {  	s10 =	sadd.s32 s1, s11;
	s11 =	sadd.s32 s30, s31;
	s12 =	simm.s32 $0x9  }
.LBB2_1:
0x12: {  	[tilespmem:s2], [sflag:$0x9] =	stream.linear.gather [hbm4b:s4+s2], $0x8800, $0x38;
	[tilespmem:$0x18800] =	vst v63  }
0x13: {  	_ =	swait.ge [sflag:s12], $0x8800  }
0x14: {  	[sflag:s12] =	ssyncset.done $0x0  }
0x15: {  	[sflag:s12] =	ssyncadd.s32 $0xFFFF7800  }
0x16: {  	[tilespmem:s14], [sflag:$0x1] =	stream.indirect.gather [hbm4b:s3+s13], $0x80, s2, s13, $0xb8;
	[tilespmem:$0x18800] =	vst v63  }
0x17: {  	_ = 	snop  }
0x18: {  	[tilespmem:s15], [sflag:$0x2] =	stream.indirect.gather [hbm4b:s3+s13], $0x80, s13, s13, $0xb8;
	[tilespmem:$0x18800] =	vst v63  }
0x19: {  	s0 =	simm.s32 $0x100  }
0x1a: {  	[tilespmem:s17], [sflag:$0x3] =	stream.indirect.gather [hbm4b:s3+s13], $0x80, s0, s13, $0xb8;
	[tilespmem:$0x18800] =	vst v63  }
0x1b: {  	_ = 	snop  }
0x1c: {  	[tilespmem:s19], [sflag:$0x4] =	stream.indirect.gather [hbm4b:s3+s13], $0x80, s18, s13, $0xb8;
	[tilespmem:$0x18800] =	vst v63  }
0x1d: {  	_ =	swait.ge [sflag:s20], $0x4000  }
0x1e: {  	[sflag:s20] =	ssyncset.done $0x0  }
0x1f: {  	s1 =	sadd.s32 $0x0, s10;
	[sflag:s20] =	ssyncadd.s32 $0xFFFFC000  }
0x20: {  	[hbm4b:s1+s2] =	stream.linear.scatter [tilespmem:s14], [sflag:$0x5], $0x4000, $0x38;
	[tilespmem:$0x18800] =	vst v63  }
0x21: {  	_ =	swait.ge [sflag:s21], $0x4000  }
0x22: {  	s0 =	sadd.s32 $0x0, s11;
	[sflag:s21] =	ssyncset.done $0x0  }
0x23: {  	s30 =	sadd.s32 $0x800, s0;
	[sflag:s21] =	ssyncadd.s32 $0xFFFFC000  }
0x24: {  	[hbm4b:s30+s2] =	stream.linear.scatter [tilespmem:s15], [sflag:$0x6], $0x4000, $0x38;
	[tilespmem:$0x18800] =	vst v63  }
0x25: {  	_ =	swait.ge [sflag:s22], $0x4000  }
0x26: {  	[sflag:s22] =	ssyncset.done $0x0  }
0x27: {  	s30 =	sadd.s32 $0x1000, s0;
	[sflag:s22] =	ssyncadd.s32 $0xFFFFC000  }
0x28: {  	[hbm4b:s30+s2] =	stream.linear.scatter [tilespmem:s17], [sflag:$0x7], $0x4000, $0x38;
	[tilespmem:$0x18800] =	vst v63  }
0x29: {  	_ =	swait.ge [sflag:s23], $0x4000  }
0x2a: {  	[sflag:s23] =	ssyncset.done $0x0  }
0x2b: {  	s1 =	sadd.s32 $0x1800, s0;
	[sflag:s23] =	ssyncadd.s32 $0xFFFFC000  }
0x2c: {  	[hbm4b:s1+s2] =	stream.linear.scatter [tilespmem:s19], [sflag:$0x8], $0x4000, $0x38;
	[tilespmem:$0x18800] =	vst v63  }
0x2d: {  	_ =	swait.ge [sflag:s24], $0x4000  }
0x2e: {  	[sflag:s24] =	ssyncset.done $0x0  }
0x2f: {  	s16 =	simm.s32 $0x200;
	[sflag:s24] =	ssyncadd.s32 $0xFFFFC000  }
0x30: {  	[tilespmem:s14], [sflag:$0x1] =	stream.indirect.gather [hbm4b:s3+s13], $0x80, s16, s13, $0xb8;
	[tilespmem:$0x18800] =	vst v63  }
0x31: {  	_ =	swait.ge [sflag:s25], $0x4000  }
0x32: {  	[sflag:s25] =	ssyncset.done $0x0  }
0x33: {  	s0 =	simm.s32 $0x280;
	[sflag:s25] =	ssyncadd.s32 $0xFFFFC000  }
0x34: {  	[tilespmem:s15], [sflag:$0x2] =	stream.indirect.gather [hbm4b:s3+s13], $0x80, s0, s13, $0xb8;
	[tilespmem:$0x18800] =	vst v63  }
0x35: {  	_ =	swait.ge [sflag:s26], $0x4000  }
0x36: {  	[sflag:s26] =	ssyncset.done $0x0  }
0x37: {  	s16 =	simm.s32 $0x300;
	[sflag:s26] =	ssyncadd.s32 $0xFFFFC000  }
0x38: {  	[tilespmem:s17], [sflag:$0x3] =	stream.indirect.gather [hbm4b:s3+s13], $0x80, s16, s13, $0xb8;
	[tilespmem:$0x18800] =	vst v63  }
0x39: {  	_ =	swait.ge [sflag:s28], $0x4000  }
0x3a: {  	s31 =	simm.s32 $0x2000;
	[sflag:s28] =	ssyncset.done $0x0  }
0x3b: {  	s30 =	simm.s32 $0x380;
	s1 =	simm.s32 $0x580;
	[sflag:s28] =	ssyncadd.s32 $0xFFFFC000  }
.LBB2_2:
0x3c: {  	[tilespmem:s19], [sflag:$0x4] =	stream.indirect.gather [hbm4b:s3+s13], $0x80, s30, s13, $0xb8;
	[tilespmem:$0x18800] =	vst v63  }
0x3d: {  	s0 =	smov.u32 s31;
	s30 =	smov.u32 s1  }
0x3e: {  	p0 =	sne.s32 s31, $0x84000;
	s31 =	sadd.s32 $0x2000, s31;
	_ =	swait.ge [sflag:s20], $0x4000  }
0x3f: {  	[sflag:s20] =	ssyncset.done $0x0  }
0x40: {  	s16 =	sadd.s32 s0, s10;
	[sflag:s20] =	ssyncadd.s32 $0xFFFFC000  }
0x41: {  	[hbm4b:s16+s2] =	stream.linear.scatter [tilespmem:s14], [sflag:$0x5], $0x4000, $0x38;
	[tilespmem:$0x18800] =	vst v63  }
0x42: {  	_ =	swait.ge [sflag:s21], $0x4000  }
0x43: {  	s0 =	sadd.s32 s0, s11;
	[sflag:s21] =	ssyncset.done $0x0  }
0x44: {  	s16 =	sadd.s32 $0x800, s0;
	[sflag:s21] =	ssyncadd.s32 $0xFFFFC000  }
0x45: {  	[hbm4b:s16+s2] =	stream.linear.scatter [tilespmem:s15], [sflag:$0x6], $0x4000, $0x38;
	[tilespmem:$0x18800] =	vst v63  }
0x46: {  	_ =	swait.ge [sflag:s22], $0x4000  }
0x47: {  	[sflag:s22] =	ssyncset.done $0x0  }
0x48: {  	s16 =	sadd.s32 $0x1000, s0;
	[sflag:s22] =	ssyncadd.s32 $0xFFFFC000  }
0x49: {  	[hbm4b:s16+s2] =	stream.linear.scatter [tilespmem:s17], [sflag:$0x7], $0x4000, $0x38;
	[tilespmem:$0x18800] =	vst v63  }
0x4a: {  	_ =	swait.ge [sflag:s23], $0x4000  }
0x4b: {  	[sflag:s23] =	ssyncset.done $0x0  }
0x4c: {  	s0 =	sadd.s32 $0x1800, s0;
	[sflag:s23] =	ssyncadd.s32 $0xFFFFC000  }
0x4d: {  	[hbm4b:s0+s2] =	stream.linear.scatter [tilespmem:s19], [sflag:$0x8], $0x4000, $0x38;
	[tilespmem:$0x18800] =	vst v63  }
0x4e: {  	_ =	swait.ge [sflag:s24], $0x4000  }
0x4f: {  	[sflag:s24] =	ssyncset.done $0x0  }
0x50: {  	s0 =	sadd.s32 $0xFFFFFE80, s1;
	[sflag:s24] =	ssyncadd.s32 $0xFFFFC000  }
0x51: {  	[tilespmem:s14], [sflag:$0x1] =	stream.indirect.gather [hbm4b:s3+s13], $0x80, s0, s13, $0xb8;
	[tilespmem:$0x18800] =	vst v63  }
0x52: {  	_ =	swait.ge [sflag:s25], $0x4000  }
0x53: {  	[sflag:s25] =	ssyncset.done $0x0  }
0x54: {  	s0 =	sadd.s32 $0xFFFFFF00, s1;
	[sflag:s25] =	ssyncadd.s32 $0xFFFFC000  }
0x55: {  	[tilespmem:s15], [sflag:$0x2] =	stream.indirect.gather [hbm4b:s3+s13], $0x80, s0, s13, $0xb8;
	[tilespmem:$0x18800] =	vst v63  }
0x56: {  	_ =	swait.ge [sflag:s26], $0x4000  }
0x57: {  	[sflag:s26] =	ssyncset.done $0x0  }
.Ltmp0:
0x58: {  	s0 =	sadd.s32 $0xFFFFFF80, s1;
	[sflag:s26] =	ssyncadd.s32 $0xFFFFC000;
	(pc) =	sbr.rel @p0 .LBB2_2-.Ltmp0, $4  }
0x59: {  	[tilespmem:s17], [sflag:$0x3] =	stream.indirect.gather [hbm4b:s3+s13], $0x80, s0, s13, $0xb8;
	[tilespmem:$0x18800] =	vst v63  }
0x5a: {  	_ =	swait.ge [sflag:s28], $0x4000  }
0x5b: {  	[sflag:s28] =	ssyncset.done $0x0  }
0x5c: {  	s1 =	sadd.s32 $0x200, s1;
	[sflag:s28] =	ssyncadd.s32 $0xFFFFC000  }
0x5d: {  	[tilespmem:s19], [sflag:$0x4] =	stream.indirect.gather [hbm4b:s3+s13], $0x80, s30, s13, $0xb8;
	[tilespmem:$0x18800] =	vst v63  }
0x5e: {  	_ =	swait.ge [sflag:s20], $0x4000  }
0x5f: {  	[sflag:s20] =	ssyncset.done $0x0  }
0x60: {  	[sflag:s20] =	ssyncadd.s32 $0xFFFFC000  }
0x61: {  	[hbm4b:s5+s2] =	stream.linear.scatter [tilespmem:s14], [sflag:$0x5], $0x4000, $0x38;
	[tilespmem:$0x18800] =	vst v63  }
0x62: {  	_ =	swait.ge [sflag:s21], $0x4000  }
0x63: {  	[sflag:s21] =	ssyncset.done $0x0  }
0x64: {  	[sflag:s21] =	ssyncadd.s32 $0xFFFFC000  }
0x65: {  	[hbm4b:s6+s2] =	stream.linear.scatter [tilespmem:s15], [sflag:$0x6], $0x4000, $0x38;
	[tilespmem:$0x18800] =	vst v63  }
0x66: {  	_ =	swait.ge [sflag:s22], $0x4000  }
0x67: {  	[sflag:s22] =	ssyncset.done $0x0  }
0x68: {  	[sflag:s22] =	ssyncadd.s32 $0xFFFFC000  }
0x69: {  	[hbm4b:s7+s2] =	stream.linear.scatter [tilespmem:s17], [sflag:$0x7], $0x4000, $0x38;
	[tilespmem:$0x18800] =	vst v63  }
0x6a: {  	_ =	swait.ge [sflag:s23], $0x4000  }
0x6b: {  	[sflag:s23] =	ssyncset.done $0x0  }
0x6c: {  	[sflag:s23] =	ssyncadd.s32 $0xFFFFC000  }
0x6d: {  	[hbm4b:s8+s2] =	stream.linear.scatter [tilespmem:s19], [sflag:$0x8], $0x4000, $0x38;
	[tilespmem:$0x18800] =	vst v63  }
0x6e: {  	_ =	swait.ge [sflag:s24], $0x4000  }
0x6f: {  	[sflag:s24] =	ssyncset.done $0x0  }
0x70: {  	[sflag:s24] =	ssyncadd.s32 $0xFFFFC000  }
0x71: {  	_ =	swait.ge [sflag:s25], $0x4000  }
0x72: {  	[sflag:s25] =	ssyncset.done $0x0  }
0x73: {  	s29 =	sadd.s32 $0x1, s29;
	[sflag:s25] =	ssyncadd.s32 $0xFFFFC000  }
0x74: {  	p0 =	sne.s32 s29, s9;
	_ =	swait.ge [sflag:s26], $0x4000  }
.Ltmp1:
0x75: {  	[sflag:s26] =	ssyncset.done $0x0;
	(pc) =	sbr.rel @p0 .LBB2_1-.Ltmp1, $4  }
0x76: {  	[sflag:s26] =	ssyncadd.s32 $0xFFFFC000  }
0x77: {  	_ =	swait.ge [sflag:s28], $0x4000  }
0x78: {  	[sflag:s28] =	ssyncset.done $0x0  }
0x79: {  	[sflag:s28] =	ssyncadd.s32 $0xFFFFC000  }
0x7a: {  	_ =	sfence.sel $0x180000  }
0x7b: {  	[bflag:$0x0] =	sbarrier.arrive $0xFFFF  }
0x7c: {  	_ =	strace $0x90000047  }
0x7d: {  	s0 =	stileid.u32;
	[bflag:$0x2] =	sbarrier.arrive $0xFFFF  }
0x7e: {  	p0 =	sne.s32 s0, $0x0;
	s0 =	rddreg [dreg:$0x2]  }
0x7f: {  	s0 =	sadd.s32 @!p0 $0x100000, s0  }
0x80: {  	[sflag:s0] =	ssyncadd.tile.s32 @!p0 $0x1;
	_ =	shalt  }
.Lfunc_end2:
_tile_overlayer_lowered:
.L_overlay_start_2:
0x81: {  	(tag) =	ssettag $0x2  }
0x82: {  	s0 =	rddreg [dreg:$0x0];
	s2 =	stileid.u32  }
0x83: {  	s1 =	rddreg [dreg:$0x1];
	p0 =	sne.s32 s2, $0x0  }
0x84: {  	s3 =	rddreg [dreg:$0x2];
	[bflag:$0x3] =	sbarrier.arrive $0xFFFF;
	s2 =	simm.s32 @!p0 $0x1C09  }
0x85: {  	[timem:s3], [sflag:s2] =	dma.local @!p0 [hbm:s0], s1  }
0x86: {  	s0 =	simm.s32 @!p0 $0x9  }
0x87: {  	_ =	swait.ge @!p0 [sflag:s0], s1  }
0x88: {  	s1 =	ssub.s32 @!p0 $0x0, s1;
	[sflag:s0] =	ssyncset.done @!p0 $0x0  }
0x89: {  	[sflag:s0] =	ssyncadd.s32 @!p0 s1  }
0x8a: {  	[bflag:$0x3] =	sbarrier.arrive $0xFFFF  }
0x8b: {  	_ =	shalt  }

// kernel: sparse-core-data-format-call.cloned.1.call-start
scs
called_computation_lowered:
.L_overlay_start_0:
0x0: {  	s2 =	sld [smem:$0x3FD9]  }
0x1: {  	s3 =	sld [smem:$0x3FFE];
	_ =	sdelay $0x1  }
0x2: {  	s1 =	srdreg.scid  }
0x3: {  	s0 =	sand.u32 $0x1, s1  }
0x4: {  	s18 =	sshll.u32 s0, $0xA;
	s2 =	sadd.s32 s3, s2  }
0x5: {  	s2 =	sadd.s32 s2, s18  }
0x6: {  	[smem:$0x3FC0] =	sst s2  }
0x7: {  	_ = 	snop  }
0x8: {  	s2 =	sld [smem:$0x3FD0];
	(tm) =	ssettm $0x1  }
0x9: {  	s19 =	sld [smem:$0x3FFB];
	_ =	sdelay $0x3  }
0xa: {  	_ =	strace s19  }
0xb: {  	s3 =	sld [smem:$0x3FFC];
	_ =	sdelay $0x3  }
0xc: {  	_ =	strace s3  }
0xd: {  	s3 =	sld [smem:$0x3FFD];
	_ =	sdelay $0x3  }
0xe: {  	_ =	strace s3  }
0xf: {  	_ =	strace $0x8FFFFFFF  }
0x10: {  	s20 =	sld [smem:$0x3FDB];
	_ =	sdelay $0x1  }
0x11: {  	s4 =	simm.s32 $_scs_section_size  }
0x12: {  	s5 =	simm.s32 $_size__tile_overlayer_lowered;
	s6 =	simm.s32 $_tile_overlayer_lowered  }
0x13: {  	s23 =	simm.s32 $0x1BFF;
	s22 =	sshll.u32 s6, $0x1;
	s3 =	sadd.s32 s4, s20  }
0x14: {  	s7 =	simm.s32 $0x0;
	s21 =	sshll.u32 s5, $0x1;
	s5 =	sadd.s32 s22, s3  }
0x15: {  	[timem:s7], [sflag:s23] =	dma.local [hbm:s5], s21  }
0x16: {  	_ =	swait.ge [sflag:s23], s21  }
0x17: {  	s4 =	ssub.s32 $0x0, s21;
	[sflag:s23] =	ssyncset.done $0x0  }
0x18: {  	[sflag:s23] =	ssyncadd.s32 s4;
	_ =	sdelay $0x1  }
0x19: {  	s24 =	simm.s32 $0x1B8B  }
0x1a: {  	_ =	swait.ge [sflag:s24], $0x1  }
0x1b: {  	[sflag:s24] =	ssyncset.done $0x0  }
0x1c: {  	s26 =	simm.s32 $0x1B8E;
	s25 =	sld [smem:$0x3FFE];
	[sflag:s24] =	ssyncadd.s32 $0xFFFFFFFF  }
0x1d: {  	s27 =	simm.s32 $execute0_lowered;
	[smem:$0x3FD2] =	sst s26  }
0x1e: {  	s5 =	sshll.u32 s27, $0x1;
	_ =	strace $0x80000049;
	[dreg:$0x1] =	wrdreg $0xFFFFFFFF  }
0x1f: {  	s28 =	simm.s32 $_size_execute0_lowered;
	s3 =	sadd.s32 s3, s5;
	[dreg:$0x0] =	wrdreg $0x0  }
0x20: {  	s5 =	sshll.u32 s28, $0x1;
	[dreg:$0x2] =	wrdreg s3  }
0x21: {  	[dreg:$0x3] =	wrdreg s5  }
0x22: {  	[dreg:$0x4] =	wrdreg $0xC0  }
0x23: {  	_ =	task [dreg:s7], $0x5FFFF  }
0x24: {  	[dreg:$0x1] =	wrdreg $0xFFFFFFFF  }
0x25: {  	[dreg:$0x0] =	wrdreg $0x60  }
0x26: {  	[dreg:$0x2] =	wrdreg s25  }
0x27: {  	[dreg:$0x3] =	wrdreg s2  }
0x28: {  	[dreg:$0x4] =	wrdreg $0x9  }
0x29: {  	_ =	task.clear_ibuf [dreg:s7], $0x5FFFF;
	_ =	strace $0x90000049  }
0x2a: {  	s29 =	simm.s32 $0x9;
	_ =	strace $0x8000004B  }
0x2b: {  	_ =	swait.ge [sflag:s29], $0x1  }
0x2c: {  	[sflag:s29] =	ssyncadd.s32 $0xFFFFFFFF  }
0x2d: {  	_ =	strace $0x9000004B  }
0x2e: {  	_ =	sfence  }
0x2f: {  	s30 =	sld [smem:$0x0];
	_ =	sdelay $0x2  }
0x30: {  	s31 =	sshll.u32 s1, $0xD;
	s1 =	sshrl.u32 s1, $0x2  }
0x31: {  	s3 =	sand.u32 $0x4000, s31;
	s1 =	sadd.s32 s1, s30  }
0x32: {  	s0 =	sor.u32 s3, s0;
	s1 =	sshll.u32 s1, $0x11  }
0x33: {  	s0 =	sor.u32 s1, s0  }
0x34: {  	s0 =	sadd.s32 $0x8F2B, s0  }
0x35: {  	[sflag:s0] =	ssyncadd.remote.s32 $0x1  }
0x36: {  	_ =	sfence.sel $0xFFFF  }
0x37: {  	[dreg:$0x0] =	wrdreg $0xFFFFFFFF;
	(pc) =	sbr.abs _section_cstart, $3  }
0x38: {  	[dreg:$0x1] =	wrdreg $0xFFFFFFFF  }
0x39: {  	_ =	task.clear_ibuf [dreg:s7], $0x2FFFF;
	_ =	strace $0x9FFFFFFF  }
0x3a: {  	(tm) =	ssettm $0x7FFFFFFF  }
0x3b: {  	_ =	shalt  }
tec
execute0_lowered:
.L_overlay_start_1:
0x0: {  	(tag) =	ssettag $0x1  }
0x1: {  	s0 =	srdreg.scid  }
0x2: {  	s1 =	sshll.u32 s0, $0x4  }
0x3: {  	s0 =	stileid.u32;
	s1 =	sand.u32 $0x10, s1  }
0x4: {  	s6 =	rddreg [dreg:$0x0];
	s1 =	sor.u32 s0, s1  }
0x5: {  	s4 =	simm.s32 $0x1;
	s7 =	simm.s32 $0x2;
	s2 =	sshll.u32 s1, $0x5  }
0x6: {  	s14 =	simm.s32 $0x0;
	s8 =	simm.s32 $0x1000;
	s1 =	ssub.s32 $0x4000, s2  }
0x7: {  	s9 =	simm.s32 $0x200000;
	s10 =	simm.s32 $0x0;
	s3 =	sand.u32 $0x3E0, s1  }
0x8: {  	s15 =	simm.s32 $0x0;
	s5 =	sshrl.u32 s1, $0xA;
	p0 =	sne.s32 s3, $0x0  }
.Ltmp0:
0x9: {  	s1 =	rddreg [dreg:$0x2];
	s4 =	simm.s32 @!p0 $0x0;
	(pc) =	sbr.rel .LBB1_1-.Ltmp0, $4  }
0xa: {  	s11 =	simm.s32 $0x0;
	s3 =	rddreg [dreg:$0x1];
	s5 =	sadd.s32 s4, s5  }
0xb: {  	_ =	strace $0x8000004A;
	s4 =	simm.s32 $0x1;
	s5 =	smul.u32 $0x11, s5  }
0xc: {  	s13 =	simm.s32 $0x0;
	s6 =	sadd.s32 $0x1800, s6;
	[sflag:s4] =	ssyncpa.u1 $0x0  }
0xd: {  	s12 =	smov.u32 s2;
	[sflag:s7] =	ssyncpa.u1 $0x0;
	s7 =	sadd.s32 $0x1, s5  }
.LBB1_7:
0xe: {  	s16 =	sadd.s32 $0x4, s11  }
0xf: {  	s14 =	sadd.s32 $0x400, s12;
	s18 =	smov.u32 s12;
	p1 =	sgt.s32 s16, $0x43  }
0x10: {  	s18 =	smov.u32 @p1 s14  }
0x11: {  	s16 =	simm.s32 @p1 $0x0;
	p1 =	sgt.s32 s18, $0x3FFF  }
0x12: {  	s18 =	smov.u32 @p1 s2;
	p1 =	sne.s32 s13, s7  }
.Ltmp1:
0x13: {  	p0 =	slt.u32 s13, $0x2;
	(pc) =	sbr.rel @!p1 .LBB1_8-.Ltmp1, $4  }
0x14: {  	s17 =	simm.s32 @!p0 $0x2  }
0x15: {  	s15 =	smov.u32 s12;
	s10 =	sadd.s32 $0x4000, s10;
	_ =	swait.ge @!p0 [sflag:s17], $0x4000  }
0x16: {  	s14 =	smov.u32 s11;
	[sflag:s17] =	ssyncset.done @!p0 $0x0;
	s11 =	smov.u32 s16  }
0x17: {  	s13 =	sadd.s32 $0x1, s13;
	[sflag:s17] =	ssyncadd.s32 @!p0 $0xFFFFC000;
	s12 =	smov.u32 s18  }
.LBB1_1:
0x18: {  	p0 =	sge.u32 s13, s5  }
0x19: {  	s16 =	sand.u32 @!p0 $0x1FFFFFF, s11  }
0x1a: {  	s17 =	smulhi.u32 @!p0 $0x38E38E4, s16;
	_ =	sdelay $0x1  }
0x1b: {  	s17 =	smul.u32 @!p0 $0x48, s17  }
0x1c: {  	s18 =	sxor.u32 @!p0 $0xFFFFFFFF, s13;
	s19 =	smul.u32 @!p0 $0x480, s12  }
0x1d: {  	s31 =	sadd.s32 $0xFFFFFFFF, s13;
	s18 =	sshll.u32 @!p0 s18, $0xE;
	s16 =	ssub.s32 @!p0 s16, s17  }
0x1e: {  	s17 =	sand.u32 @!p0 $0x4000, s18;
	s18 =	sadd.s32 @!p0 s6, s19;
	s16 =	sshll.u32 @!p0 s16, $0x4  }
0x1f: {  	s19 =	simm.s32 @!p0 $0x2400;
	s16 =	sadd.s32 @!p0 s16, s18;
	s18 =	simm.s32 @!p0 $0x200  }
0x20: {  	[tilespmem:s17], [sflag:$0x1] =	stream.strided.gather @!p0 [hbm4b:s16+s18], $0x4000, s19, s18, $0x38;
	[tilespmem:$0x10000] =	vst v63  }
0x21: {  	p0 =	sge.u32 s31, s5  }
.Ltmp2:
0x22: {  	_ = 	snop;
	(pc) =	sbr.rel @p0 .LBB1_7-.Ltmp2, $1  }
0x23: {  	_ =	sdelay $0x3  }
0x24: {  	s17 =	sand.u32 $0x4000, s10  }
0x25: {  	_ =	swait.ge [sflag:s4], $0x4000;
	s19 =	sshll.u32 s13, $0xE;
	s16 =	sor.u32 $0x8040, s17  }
0x26: {  	s18 =	sor.u32 $0x40, s17;
	[sflag:s4] =	ssyncset.done $0x0;
	s31 =	sand.u32 $0x4000, s19  }
0x27: {  	s19 =	simm.s32 $0x0;
	[sflag:s4] =	ssyncadd.s32 $0xFFFFC000;
	s17 =	sor.u32 $0x8000, s31  }
.LBB1_3:
0x28: {  	v0 =	vmov s18;
	_ =	sdelay $0x3  }
0x29: {  	s21 =	simm.s32 $0x0  }
0x2a: {  	v6 =	vld.idx.msk [tilespmem:v0+s21+$0x30 ss:$0x1], $0xffff  }
0x2b: {  	v7 =	vld.idx.msk [tilespmem:v0+s21+$0xFFFFFFC0 ss:$0x1], $0xffff  }
0x2c: {  	v5 =	vld.idx.msk [tilespmem:v0+s21+$0xFFFFFFD0 ss:$0x1], $0xffff  }
0x2d: {  	v4 =	vld.idx.msk [tilespmem:v0+s21+$0xFFFFFFE0 ss:$0x1], $0xffff  }
0x2e: {  	v3 =	vld.idx.msk [tilespmem:v0+s21+$0xFFFFFFF0 ss:$0x1], $0xffff  }
0x2f: {  	v1 =	vld.idx.msk [tilespmem:v0+s21+$0x0 ss:$0x1], $0xffff  }
0x30: {  	v2 =	vld.idx.msk [tilespmem:v0+s21+$0x10 ss:$0x1], $0xffff;
	[tilespmem:s16+$0x30] =	vst v6  }
0x31: {  	s20 =	simm.s32 $0x80;
	s22 =	simm.s32 $0x400;
	[tilespmem:s16+$0xFFFFFFC0] =	vst v7;
	v6 =	vld.idx.msk [tilespmem:v0+s21+$0x20 ss:$0x1], $0xffff;
	s21 =	smov.u32 s16  }
.LBB1_4:
0x32: {  	p0 =	sne.s32 s22, $0x600;
	v7 =	vld.idx.msk [tilespmem:v0+s20+$0x30 ss:$0x1], $0xffff;
	[tilespmem:s21+$0xFFFFFFD0] =	vst v5  }
0x33: {  	v8 =	vld.idx.msk [tilespmem:v0+s20+$0xFFFFFFC0 ss:$0x1], $0xffff;
	[tilespmem:s21+$0xFFFFFFE0] =	vst v4  }
0x34: {  	v5 =	vld.idx.msk [tilespmem:v0+s20+$0xFFFFFFD0 ss:$0x1], $0xffff;
	[tilespmem:s21+$0xFFFFFFF0] =	vst v3  }
.Ltmp3:
0x35: {  	v4 =	vld.idx.msk [tilespmem:v0+s20+$0xFFFFFFE0 ss:$0x1], $0xffff;
	[tilespmem:s21+$0x0] =	vst v1;
	(pc) =	sbr.rel @p0 .LBB1_4-.Ltmp3, $4  }
0x36: {  	v3 =	vld.idx.msk [tilespmem:v0+s20+$0xFFFFFFF0 ss:$0x1], $0xffff;
	[tilespmem:s21+$0x10] =	vst v2  }
0x37: {  	v1 =	vld.idx.msk [tilespmem:v0+s20+$0x0 ss:$0x1], $0xffff;
	[tilespmem:s21+$0x20] =	vst v6;
	s21 =	sadd.s32 $0x1000, s21  }
0x38: {  	v2 =	vld.idx.msk [tilespmem:v0+s20+$0x10 ss:$0x1], $0xffff;
	[tilespmem:s21+$0x30] =	vst v7  }
0x39: {  	[tilespmem:s21+$0xFFFFFFC0] =	vst v8;
	v6 =	vld.idx.msk [tilespmem:v0+s20+$0x20 ss:$0x1], $0xffff;
	s20 =	sshra.s32 s22, $0x2;
	s22 =	sadd.s32 $0x200, s22  }
0x3a: {  	_ =	sdelay $0x2  }
0x3b: {  	[tilespmem:s21+$0xFFFFFFD0] =	vst v5  }
0x3c: {  	v56 =	vld.idx.msk [tilespmem:v0+s20+$0x30 ss:$0x1], $0xffff;
	[tilespmem:s21+$0xFFFFFFE0] =	vst v4  }
0x3d: {  	v57 =	vld.idx.msk [tilespmem:v0+s20+$0xFFFFFFC0 ss:$0x1], $0xffff;
	[tilespmem:s21+$0xFFFFFFF0] =	vst v3  }
0x3e: {  	v58 =	vld.idx.msk [tilespmem:v0+s20+$0xFFFFFFD0 ss:$0x1], $0xffff;
	[tilespmem:s21+$0x0] =	vst v1  }
0x3f: {  	v59 =	vld.idx.msk [tilespmem:v0+s20+$0xFFFFFFE0 ss:$0x1], $0xffff;
	[tilespmem:s21+$0x10] =	vst v2  }
0x40: {  	v60 =	vld.idx.msk [tilespmem:v0+s20+$0xFFFFFFF0 ss:$0x1], $0xffff;
	s31 =	sadd.s32 $0x1000, s21;
	[tilespmem:s21+$0x20] =	vst v6  }
0x41: {  	v61 =	vld.idx.msk [tilespmem:v0+s20+$0x0 ss:$0x1], $0xffff;
	[tilespmem:s31+$0x30] =	vst v56  }
0x42: {  	v62 =	vld.idx.msk [tilespmem:v0+s20+$0x10 ss:$0x1], $0xffff;
	s19 =	sadd.s32 $0x1, s19;
	[tilespmem:s31+$0xFFFFFFC0] =	vst v57  }
0x43: {  	v63 =	vld.idx.msk [tilespmem:v0+s20+$0x20 ss:$0x1], $0xffff;
	p0 =	sne.s32 s19, $0x20;
	[tilespmem:s31+$0xFFFFFFD0] =	vst v58  }
.Ltmp4:
0x44: {  	[tilespmem:s31+$0xFFFFFFE0] =	vst v59;
	(pc) =	sbr.rel @p0 .LBB1_3-.Ltmp4, $4  }
0x45: {  	[tilespmem:s31+$0xFFFFFFF0] =	vst v60  }
0x46: {  	[tilespmem:s31+$0x0] =	vst v61  }
0x47: {  	[tilespmem:s31+$0x10] =	vst v62  }
0x48: {  	s16 =	sadd.s32 $0x80, s16;
	s18 =	sadd.s32 $0x200, s18;
	[tilespmem:s31+$0x20] =	vst v63  }
.Ltmp5:
0x49: {  	s15 =	sshll.u32 s15, $0x4;
	(pc) =	sbr.rel .LBB1_7-.Ltmp5, $4  }
0x4a: {  	s15 =	sand.u32 $0x3FFF0, s15  }
0x4b: {  	s14 =	sshll.u32 s14, $0x12;
	s15 =	sadd.s32 s3, s15  }
0x4c: {  	s14 =	sadd.s32 s14, s15  }
0x4d: {  	[hbm4b:s14+s8] =	stream.strided.scatter [tilespmem:s17], [sflag:$0x2], $0x4000, s9, s8, $0x38;
	[tilespmem:$0x10000] =	vst v63  }
.LBB1_8:
0x4e: {  	_ =	sfence.sel $0x180000  }
0x4f: {  	s2 =	simm.s32 $0x1;
	[bflag:$0x0] =	sbarrier.arrive $0xFFFF  }
0x50: {  	s31 =	simm.s32 $0x2;
	[sflag:s2] =	ssyncpa.u1 $0x1  }
0x51: {  	[sflag:s31] =	ssyncpa.u1 $0x1  }
0x52: {  	p0 =	sne.s32 s0, $0x0;
	_ =	strace $0x9000004A  }
0x53: {  	s0 =	sadd.s32 @!p0 $0x100000, s1;
	[bflag:$0x2] =	sbarrier.arrive $0xFFFF  }
0x54: {  	[sflag:s0] =	ssyncadd.tile.s32 @!p0 $0x1;
	_ =	shalt  }
.Lfunc_end1:
_tile_overlayer_lowered:
.L_overlay_start_2:
0x55: {  	(tag) =	ssettag $0x2  }
0x56: {  	s0 =	rddreg [dreg:$0x0];
	s2 =	stileid.u32  }
0x57: {  	s1 =	rddreg [dreg:$0x1];
	p0 =	sne.s32 s2, $0x0  }
0x58: {  	s3 =	rddreg [dreg:$0x2];
	[bflag:$0x3] =	sbarrier.arrive $0xFFFF;
	s2 =	simm.s32 @!p0 $0x1C01  }
0x59: {  	[timem:s3], [sflag:s2] =	dma.local @!p0 [hbm:s0], s1  }
0x5a: {  	s0 =	simm.s32 @!p0 $0x1  }
0x5b: {  	_ =	swait.ge @!p0 [sflag:s0], s1  }
0x5c: {  	s1 =	ssub.s32 @!p0 $0x0, s1;
	[sflag:s0] =	ssyncset.done @!p0 $0x0  }
0x5d: {  	[sflag:s0] =	ssyncadd.s32 @!p0 s1  }
0x5e: {  	[bflag:$0x3] =	sbarrier.arrive $0xFFFF  }
0x5f: {  	_ =	shalt  }

</sc_bundles>
